<compile_context>
chip_gen: v7x
topology: tpu7x:2x2x1
jax: 0.10.2.dev20260603
libtpu: 0.0.44.dev20260713+nightly
codegen_flags: <defaults>
</compile_context>

<pallas_src>
import functools

import jax
import jax.numpy as jnp
from jax import lax
from jax.experimental import pallas as pl
from jax.experimental.pallas import tpu as pltpu
from jax.experimental.pallas import tpu_sc as plsc

N_TOK = 4096
DIM = 32
K_CODES = 1024
BN = 2048
GRID = N_TOK // BN

_NC = 1
_NS = 16
_NW = _NC * _NS
_BPW = N_TOK // _NW
_L = 16

_LN2 = 0.6931471805599453


def _vq_body(x_ref, cb_ref, idx_ref, loss_ref, caug_ref, lsum_ref):
    i = pl.program_id(0)
    x = x_ref[...]

    @pl.when(i == 0)
    def _init():
        cb = cb_ref[...]
        caug_ref[:, :DIM] = -2.0 * cb
        caug_ref[:, DIM:] = jnp.sum(cb * cb, axis=1, keepdims=True)
        lsum_ref[...] = jnp.zeros_like(lsum_ref)

    xaug = jnp.concatenate(
        [x, jnp.ones((BN, 1), jnp.float32)], axis=1)
    d = jax.lax.dot_general(
        xaug, caug_ref[...], dimension_numbers=(((1,), (1,)), ((), ())),
        preferred_element_type=jnp.float32,
        precision=jax.lax.Precision.HIGHEST)

    mind = jnp.min(d, axis=1, keepdims=True)
    kiota = jax.lax.broadcasted_iota(jnp.int32, d.shape, 1)
    idx = jnp.min(jnp.where(d == mind, kiota, K_CODES), axis=1,
                  keepdims=True)
    idx_ref[...] = idx

    lsum_ref[...] += (jnp.sum(x * x, axis=(0, 1), keepdims=True)
                      + jnp.sum(mind, axis=(0, 1), keepdims=True))

    @pl.when(i == GRID - 1)
    def _finalize():
        loss_ref[...] = lsum_ref[...] / (N_TOK * DIM)


def _vq_tc(input_data, codebooks):
    return pl.pallas_call(
        _vq_body,
        grid=(GRID,),
        in_specs=[
            pl.BlockSpec((BN, DIM), lambda i: (i, 0)),
            pl.BlockSpec((K_CODES, DIM), lambda i: (0, 0)),
        ],
        out_specs=[
            pl.BlockSpec((BN, 1), lambda i: (i, 0)),
            pl.BlockSpec((1, 1), lambda i: (0, 0)),
        ],
        out_shape=[
            jax.ShapeDtypeStruct((N_TOK, 1), jnp.int32),
            jax.ShapeDtypeStruct((1, 1), jnp.float32),
        ],
        scratch_shapes=[
            pltpu.VMEM((K_CODES, DIM + 1), jnp.float32),
            pltpu.VMEM((1, 1), jnp.float32),
        ],
    )(input_data, codebooks)


def _ln(y):
    bits = plsc.bitcast(y, jnp.int32)
    e = ((bits >> 23) & 0xFF) - 127
    m = plsc.bitcast((bits & 0x007FFFFF) | 0x3F800000, jnp.float32)
    s = (m - 1.0) / (m + 1.0)
    s2 = s * s
    lnm = 2.0 * s * (1.0 + s2 * (1.0 / 3.0 + s2 * (0.2 + s2 * (1.0 / 7.0))))
    return e.astype(jnp.float32) * _LN2 + lnm


@functools.partial(
    pl.kernel,
    mesh=plsc.VectorSubcoreMesh(core_axis_name="c", subcore_axis_name="s", num_cores=1),
    out_type=[
        jax.ShapeDtypeStruct((N_TOK, DIM), jnp.float32),
        jax.ShapeDtypeStruct((_L,), jnp.float32),
    ],
    scratch_types=[
        pltpu.VMEM((_BPW,), jnp.int32),
        pltpu.VMEM((_BPW, DIM), jnp.float32),
        pltpu.VMEM((N_TOK,), jnp.int32),
        pltpu.VMEM((K_CODES,), jnp.float32),
        pltpu.VMEM((_L,), jnp.float32),
        pltpu.SemaphoreType.DMA,
    ],
    compiler_params=pltpu.CompilerParams(use_tc_tiling_on_sc=False,
                                         needs_layout_passes=False),
)
def _sc_gather_stats(cb_hbm, idx_hbm, out_hbm, perp_hbm,
                     idx_v, rows_v, allidx_v, cnt_v, tmp_v, sem):
    wid = lax.axis_index("s") * _NC + lax.axis_index("c")
    base = wid * _BPW

    pltpu.sync_copy(idx_hbm.at[pl.ds(base, _BPW)], idx_v)
    gather = pltpu.async_copy(cb_hbm.at[idx_v], rows_v, sem)

    @pl.when(wid == 0)
    def _stats():
        pltpu.sync_copy(idx_hbm, allidx_v)
        zeros = jnp.zeros((_L,), jnp.float32)
        for g in range(K_CODES // _L):
            cnt_v[pl.ds(g * _L, _L)] = zeros

        ones = jnp.ones((_L,), jnp.float32)

        def _hist(g, _):
            for u in range(8):
                iv = allidx_v[pl.ds((g * 8 + u) * _L, _L)]
                plsc.addupdate_scatter(cnt_v, [iv], ones)
            return 0

        lax.fori_loop(0, N_TOK // (_L * 8), _hist, 0)

        def _ent(g, acc):
            p = cnt_v[pl.ds(g * _L, _L)] * (1.0 / N_TOK)
            return acc + p * _ln(p + 1e-10)

        acc = lax.fori_loop(0, K_CODES // _L, _ent,
                            jnp.zeros((_L,), jnp.float32))
        ent = -jnp.sum(acc)
        tmp_v[...] = jnp.exp(jnp.full((_L,), ent, jnp.float32))
        pltpu.sync_copy(tmp_v, perp_hbm)

    gather.wait()
    pltpu.sync_copy(rows_v, out_hbm.at[pl.ds(base, _BPW)])


def kernel(input_data, codebooks):
    idx, loss = _vq_tc(input_data, codebooks)
    idx_flat = jnp.reshape(idx, (N_TOK,))
    q, perp = _sc_gather_stats(codebooks, idx_flat)
    return (q, jnp.reshape(loss, ()), jnp.reshape(perp[:1], ()), idx_flat)

# --- scband reference (transcript-rebuilt; emitter-appended) ---
"""Pipeline reference for scband-plain-vq-58703613001740 (READ-ONLY COPY).

The authoritative reference and input builder live on the scoring server;
editing this copy changes nothing except your own understanding.
"""

import jax, jax.numpy as jnp
import numpy as np

NUM_EMBEDDINGS = 1024
EMBEDDING_DIM = 32
N_TOKENS = 4096

def setup_inputs(seed: int = 0) -> dict:
    key = jax.random.key(seed)
    k1, k2 = jax.random.split(key)
    input_data = jax.random.normal(k1, (N_TOKENS, EMBEDDING_DIM), dtype=jnp.float32)
    codebooks = jax.random.normal(k2, (NUM_EMBEDDINGS, EMBEDDING_DIM), dtype=jnp.float32)
    return {"input_data": input_data, "codebooks": codebooks}

def reference(input_data, codebooks):
    # distances: (N, D, 1) - (1, D, K) -> (N, D, K), squared, summed over D -> (N, K)
    distances = jnp.sum(jnp.square(input_data[:, :, None] - codebooks.T[None, :, :]), axis=1)
    min_indices = jnp.argmin(distances, axis=1)
    num_embeddings = codebooks.shape[0]
    encodings = jax.nn.one_hot(min_indices, num_embeddings, dtype=jnp.float32)
    quantized_input = codebooks[min_indices]
    loss = jnp.mean(jnp.square(input_data - quantized_input))
    avg_probs = jnp.mean(encodings, axis=0)
    perplexity = jnp.exp(-jnp.sum(avg_probs * jnp.log(avg_probs + 1e-10)))
    return (quantized_input, loss, perplexity, min_indices)

if __name__ == "__main__":
    import jax
    _d = setup_inputs()
    print(jax.jit(kernel)(*tuple(_d.values())))

</pallas_src>

<mosaic_0001>
#map = affine_map<(d0, d1) -> (0, 0)>
#map1 = affine_map<(d0, d1) -> (0)>
module attributes {stable_mosaic.version = 14 : i64} {
  func.func @_sc_gather_stats(%arg0: i32, %arg1: i32, %arg2: memref<1024x32xf32, #tpu.memory_space<hbm>>, %arg3: memref<4096xi32, #tpu.memory_space<hbm>>, %arg4: memref<4096x32xf32, #tpu.memory_space<hbm>>, %arg5: memref<16xf32, #tpu.memory_space<hbm>>, %arg6: memref<256xi32, #tpu.memory_space<vmem>>, %arg7: memref<256x32xf32, #tpu.memory_space<vmem>>, %arg8: memref<4096xi32, #tpu.memory_space<vmem>>, %arg9: memref<1024xf32, #tpu.memory_space<vmem>>, %arg10: memref<16xf32, #tpu.memory_space<vmem>>, %arg11: memref<!tpu.dma_semaphore, #tpu.memory_space<semaphore_mem>>) attributes {dimension_semantics = [#tpu.dimension_semantics<core_parallel>, #tpu.dimension_semantics<subcore_parallel>], iteration_bounds = array<i64: 1, 16>, scalar_prefetch = 0 : i64, scratch_operands = 6 : i64, tpu.core_type = #tpu.core_type<sc_vector_subcore>, window_params = [{transform_indices = #map}, {transform_indices = #map1}, {transform_indices = #map}, {transform_indices = #map1}]} {
    %mul3A = arith.constant 1 : i32
    %mul3A_0 = arith.muli %arg1, %mul3A : i32
    %add3A = arith.addi %mul3A_0, %arg0 : i32
    %mul3A_1 = arith.constant 256 : i32
    %mul3A_2 = arith.muli %add3A, %mul3A_1 : i32
    "tpu.region"() ({
      %run_scoped3A = tpu.sem_alloc : memref<!tpu.dma_semaphore, #tpu.memory_space<semaphore_mem>>
      %dma_start3A_9 = tpu.memref_slice %arg3[%mul3A_2] : memref<4096xi32, #tpu.memory_space<hbm>> -> memref<256xi32, #tpu.memory_space<hbm>>
      %dma_start3A_10 = tpu.memref_slice %arg3[%mul3A_2] : memref<4096xi32, #tpu.memory_space<hbm>> -> memref<256xi32, #tpu.memory_space<hbm>>
      tpu.enqueue_dma source(%dma_start3A_10 : memref<256xi32, #tpu.memory_space<hbm>>) target(%arg6 : memref<256xi32, #tpu.memory_space<vmem>>) target_semaphore(%run_scoped3A : memref<!tpu.dma_semaphore, #tpu.memory_space<semaphore_mem>>)
      %dma_wait3A_11 = tpu.memref_slice %arg3[%mul3A_2] : memref<4096xi32, #tpu.memory_space<hbm>> -> memref<256xi32, #tpu.memory_space<hbm>>
      %dma_wait3A_12 = tpu.memref_slice %arg3[%mul3A_2] : memref<4096xi32, #tpu.memory_space<hbm>> -> memref<256xi32, #tpu.memory_space<hbm>>
      tpu.wait_dma2 semaphore(%run_scoped3A : memref<!tpu.dma_semaphore, #tpu.memory_space<semaphore_mem>>) src(%dma_wait3A_12 : memref<256xi32, #tpu.memory_space<hbm>>) dst(%arg6 : memref<256xi32, #tpu.memory_space<vmem>>)
      tpu.yield
    }) : () -> ()
    %dma_start3A = arith.constant 0 : i32
    %dma_start3A_3 = arith.constant 0 : i32
    %dma_start3A_4 = tpu.memref_slice %arg2[%dma_start3A, %dma_start3A_3] : memref<1024x32xf32, #tpu.memory_space<hbm>> -> memref<1024x32xf32, #tpu.memory_space<hbm>>
    tpu.enqueue_indirect_dma source(%dma_start3A_4 : memref<1024x32xf32, #tpu.memory_space<hbm>>) target(%arg7 : memref<256x32xf32, #tpu.memory_space<vmem>>) offsets(%arg6 : memref<256xi32, #tpu.memory_space<vmem>>) semaphore(%arg11 : memref<!tpu.dma_semaphore, #tpu.memory_space<semaphore_mem>>)
    %eq3A = arith.constant 0 : i32
    %eq3A_5 = arith.cmpi eq, %add3A, %eq3A : i32
    %convert_element_type3A = arith.extui %eq3A_5 : i1 to i32
    %cond3A = arith.constant 0 : i32
    %cond3A_6 = arith.cmpi ne, %convert_element_type3A, %cond3A : i32
    scf.if %cond3A_6 {
      "tpu.region"() ({
        %run_scoped3A = tpu.sem_alloc : memref<!tpu.dma_semaphore, #tpu.memory_space<semaphore_mem>>
        tpu.enqueue_dma source(%arg3 : memref<4096xi32, #tpu.memory_space<hbm>>) target(%arg8 : memref<4096xi32, #tpu.memory_space<vmem>>) target_semaphore(%run_scoped3A : memref<!tpu.dma_semaphore, #tpu.memory_space<semaphore_mem>>)
        tpu.wait_dma2 semaphore(%run_scoped3A : memref<!tpu.dma_semaphore, #tpu.memory_space<semaphore_mem>>) src(%arg3 : memref<4096xi32, #tpu.memory_space<hbm>>) dst(%arg8 : memref<4096xi32, #tpu.memory_space<vmem>>)
        tpu.yield
      }) : () -> ()
      %broadcast_in_dim3A = arith.constant 0.000000e+00 : f32
      %broadcast_in_dim3A_9 = vector.broadcast %broadcast_in_dim3A : f32 to vector<16xf32>
      %swap3A = arith.constant 0 : index
      %swap3A_10 = tpu.vector_load %arg9[%swap3A] {strides = array<i32>} : memref<1024xf32, #tpu.memory_space<vmem>>, vector<16xf32>,
      tpu.vector_store %arg9[%swap3A], %broadcast_in_dim3A_9 {strides = array<i32>} : memref<1024xf32, #tpu.memory_space<vmem>>, vector<16xf32>,
      %swap3A_11 = arith.constant 16 : index
      %swap3A_12 = tpu.vector_load %arg9[%swap3A_11] {strides = array<i32>} : memref<1024xf32, #tpu.memory_space<vmem>>, vector<16xf32>,
      tpu.vector_store %arg9[%swap3A_11], %broadcast_in_dim3A_9 {strides = array<i32>} : memref<1024xf32, #tpu.memory_space<vmem>>, vector<16xf32>,
      %swap3A_13 = arith.constant 32 : index
      %swap3A_14 = tpu.vector_load %arg9[%swap3A_13] {strides = array<i32>} : memref<1024xf32, #tpu.memory_space<vmem>>, vector<16xf32>,
      tpu.vector_store %arg9[%swap3A_13], %broadcast_in_dim3A_9 {strides = array<i32>} : memref<1024xf32, #tpu.memory_space<vmem>>, vector<16xf32>,
      %swap3A_15 = arith.constant 48 : index
      %swap3A_16 = tpu.vector_load %arg9[%swap3A_15] {strides = array<i32>} : memref<1024xf32, #tpu.memory_space<vmem>>, vector<16xf32>,
      tpu.vector_store %arg9[%swap3A_15], %broadcast_in_dim3A_9 {strides = array<i32>} : memref<1024xf32, #tpu.memory_space<vmem>>, vector<16xf32>,
      %swap3A_17 = arith.constant 64 : index
      %swap3A_18 = tpu.vector_load %arg9[%swap3A_17] {strides = array<i32>} : memref<1024xf32, #tpu.memory_space<vmem>>, vector<16xf32>,
      tpu.vector_store %arg9[%swap3A_17], %broadcast_in_dim3A_9 {strides = array<i32>} : memref<1024xf32, #tpu.memory_space<vmem>>, vector<16xf32>,
      %swap3A_19 = arith.constant 80 : index
      %swap3A_20 = tpu.vector_load %arg9[%swap3A_19] {strides = array<i32>} : memref<1024xf32, #tpu.memory_space<vmem>>, vector<16xf32>,
      tpu.vector_store %arg9[%swap3A_19], %broadcast_in_dim3A_9 {strides = array<i32>} : memref<1024xf32, #tpu.memory_space<vmem>>, vector<16xf32>,
      %swap3A_21 = arith.constant 96 : index
      %swap3A_22 = tpu.vector_load %arg9[%swap3A_21] {strides = array<i32>} : memref<1024xf32, #tpu.memory_space<vmem>>, vector<16xf32>,
      tpu.vector_store %arg9[%swap3A_21], %broadcast_in_dim3A_9 {strides = array<i32>} : memref<1024xf32, #tpu.memory_space<vmem>>, vector<16xf32>,
      %swap3A_23 = arith.constant 112 : index
      %swap3A_24 = tpu.vector_load %arg9[%swap3A_23] {strides = array<i32>} : memref<1024xf32, #tpu.memory_space<vmem>>, vector<16xf32>,
      tpu.vector_store %arg9[%swap3A_23], %broadcast_in_dim3A_9 {strides = array<i32>} : memref<1024xf32, #tpu.memory_space<vmem>>, vector<16xf32>,
      %swap3A_25 = arith.constant 128 : index
      %swap3A_26 = tpu.vector_load %arg9[%swap3A_25] {strides = array<i32>} : memref<1024xf32, #tpu.memory_space<vmem>>, vector<16xf32>,
      tpu.vector_store %arg9[%swap3A_25], %broadcast_in_dim3A_9 {strides = array<i32>} : memref<1024xf32, #tpu.memory_space<vmem>>, vector<16xf32>,
      %swap3A_27 = arith.constant 144 : index
      %swap3A_28 = tpu.vector_load %arg9[%swap3A_27] {strides = array<i32>} : memref<1024xf32, #tpu.memory_space<vmem>>, vector<16xf32>,
      tpu.vector_store %arg9[%swap3A_27], %broadcast_in_dim3A_9 {strides = array<i32>} : memref<1024xf32, #tpu.memory_space<vmem>>, vector<16xf32>,
      %swap3A_29 = arith.constant 160 : index
      %swap3A_30 = tpu.vector_load %arg9[%swap3A_29] {strides = array<i32>} : memref<1024xf32, #tpu.memory_space<vmem>>, vector<16xf32>,
      tpu.vector_store %arg9[%swap3A_29], %broadcast_in_dim3A_9 {strides = array<i32>} : memref<1024xf32, #tpu.memory_space<vmem>>, vector<16xf32>,
      %swap3A_31 = arith.constant 176 : index
      %swap3A_32 = tpu.vector_load %arg9[%swap3A_31] {strides = array<i32>} : memref<1024xf32, #tpu.memory_space<vmem>>, vector<16xf32>,
      tpu.vector_store %arg9[%swap3A_31], %broadcast_in_dim3A_9 {strides = array<i32>} : memref<1024xf32, #tpu.memory_space<vmem>>, vector<16xf32>,
      %swap3A_33 = arith.constant 192 : index
      %swap3A_34 = tpu.vector_load %arg9[%swap3A_33] {strides = array<i32>} : memref<1024xf32, #tpu.memory_space<vmem>>, vector<16xf32>,
      tpu.vector_store %arg9[%swap3A_33], %broadcast_in_dim3A_9 {strides = array<i32>} : memref<1024xf32, #tpu.memory_space<vmem>>, vector<16xf32>,
      %swap3A_35 = arith.constant 208 : index
      %swap3A_36 = tpu.vector_load %arg9[%swap3A_35] {strides = array<i32>} : memref<1024xf32, #tpu.memory_space<vmem>>, vector<16xf32>,
      tpu.vector_store %arg9[%swap3A_35], %broadcast_in_dim3A_9 {strides = array<i32>} : memref<1024xf32, #tpu.memory_space<vmem>>, vector<16xf32>,
      %swap3A_37 = arith.constant 224 : index
      %swap3A_38 = tpu.vector_load %arg9[%swap3A_37] {strides = array<i32>} : memref<1024xf32, #tpu.memory_space<vmem>>, vector<16xf32>,
      tpu.vector_store %arg9[%swap3A_37], %broadcast_in_dim3A_9 {strides = array<i32>} : memref<1024xf32, #tpu.memory_space<vmem>>, vector<16xf32>,
      %swap3A_39 = arith.constant 240 : index
      %swap3A_40 = tpu.vector_load %arg9[%swap3A_39] {strides = array<i32>} : memref<1024xf32, #tpu.memory_space<vmem>>, vector<16xf32>,
      tpu.vector_store %arg9[%swap3A_39], %broadcast_in_dim3A_9 {strides = array<i32>} : memref<1024xf32, #tpu.memory_space<vmem>>, vector<16xf32>,
      %swap3A_41 = arith.constant 256 : index
      %swap3A_42 = tpu.vector_load %arg9[%swap3A_41] {strides = array<i32>} : memref<1024xf32, #tpu.memory_space<vmem>>, vector<16xf32>,
      tpu.vector_store %arg9[%swap3A_41], %broadcast_in_dim3A_9 {strides = array<i32>} : memref<1024xf32, #tpu.memory_space<vmem>>, vector<16xf32>,
      %swap3A_43 = arith.constant 272 : index
      %swap3A_44 = tpu.vector_load %arg9[%swap3A_43] {strides = array<i32>} : memref<1024xf32, #tpu.memory_space<vmem>>, vector<16xf32>,
      tpu.vector_store %arg9[%swap3A_43], %broadcast_in_dim3A_9 {strides = array<i32>} : memref<1024xf32, #tpu.memory_space<vmem>>, vector<16xf32>,
      %swap3A_45 = arith.constant 288 : index
      %swap3A_46 = tpu.vector_load %arg9[%swap3A_45] {strides = array<i32>} : memref<1024xf32, #tpu.memory_space<vmem>>, vector<16xf32>,
      tpu.vector_store %arg9[%swap3A_45], %broadcast_in_dim3A_9 {strides = array<i32>} : memref<1024xf32, #tpu.memory_space<vmem>>, vector<16xf32>,
      %swap3A_47 = arith.constant 304 : index
      %swap3A_48 = tpu.vector_load %arg9[%swap3A_47] {strides = array<i32>} : memref<1024xf32, #tpu.memory_space<vmem>>, vector<16xf32>,
      tpu.vector_store %arg9[%swap3A_47], %broadcast_in_dim3A_9 {strides = array<i32>} : memref<1024xf32, #tpu.memory_space<vmem>>, vector<16xf32>,
      %swap3A_49 = arith.constant 320 : index
      %swap3A_50 = tpu.vector_load %arg9[%swap3A_49] {strides = array<i32>} : memref<1024xf32, #tpu.memory_space<vmem>>, vector<16xf32>,
      tpu.vector_store %arg9[%swap3A_49], %broadcast_in_dim3A_9 {strides = array<i32>} : memref<1024xf32, #tpu.memory_space<vmem>>, vector<16xf32>,
      %swap3A_51 = arith.constant 336 : index
      %swap3A_52 = tpu.vector_load %arg9[%swap3A_51] {strides = array<i32>} : memref<1024xf32, #tpu.memory_space<vmem>>, vector<16xf32>,
      tpu.vector_store %arg9[%swap3A_51], %broadcast_in_dim3A_9 {strides = array<i32>} : memref<1024xf32, #tpu.memory_space<vmem>>, vector<16xf32>,
      %swap3A_53 = arith.constant 352 : index
      %swap3A_54 = tpu.vector_load %arg9[%swap3A_53] {strides = array<i32>} : memref<1024xf32, #tpu.memory_space<vmem>>, vector<16xf32>,
      tpu.vector_store %arg9[%swap3A_53], %broadcast_in_dim3A_9 {strides = array<i32>} : memref<1024xf32, #tpu.memory_space<vmem>>, vector<16xf32>,
      %swap3A_55 = arith.constant 368 : index
      %swap3A_56 = tpu.vector_load %arg9[%swap3A_55] {strides = array<i32>} : memref<1024xf32, #tpu.memory_space<vmem>>, vector<16xf32>,
      tpu.vector_store %arg9[%swap3A_55], %broadcast_in_dim3A_9 {strides = array<i32>} : memref<1024xf32, #tpu.memory_space<vmem>>, vector<16xf32>,
      %swap3A_57 = arith.constant 384 : index
      %swap3A_58 = tpu.vector_load %arg9[%swap3A_57] {strides = array<i32>} : memref<1024xf32, #tpu.memory_space<vmem>>, vector<16xf32>,
      tpu.vector_store %arg9[%swap3A_57], %broadcast_in_dim3A_9 {strides = array<i32>} : memref<1024xf32, #tpu.memory_space<vmem>>, vector<16xf32>,
      %swap3A_59 = arith.constant 400 : index
      %swap3A_60 = tpu.vector_load %arg9[%swap3A_59] {strides = array<i32>} : memref<1024xf32, #tpu.memory_space<vmem>>, vector<16xf32>,
      tpu.vector_store %arg9[%swap3A_59], %broadcast_in_dim3A_9 {strides = array<i32>} : memref<1024xf32, #tpu.memory_space<vmem>>, vector<16xf32>,
      %swap3A_61 = arith.constant 416 : index
      %swap3A_62 = tpu.vector_load %arg9[%swap3A_61] {strides = array<i32>} : memref<1024xf32, #tpu.memory_space<vmem>>, vector<16xf32>,
      tpu.vector_store %arg9[%swap3A_61], %broadcast_in_dim3A_9 {strides = array<i32>} : memref<1024xf32, #tpu.memory_space<vmem>>, vector<16xf32>,
      %swap3A_63 = arith.constant 432 : index
      %swap3A_64 = tpu.vector_load %arg9[%swap3A_63] {strides = array<i32>} : memref<1024xf32, #tpu.memory_space<vmem>>, vector<16xf32>,
      tpu.vector_store %arg9[%swap3A_63], %broadcast_in_dim3A_9 {strides = array<i32>} : memref<1024xf32, #tpu.memory_space<vmem>>, vector<16xf32>,
      %swap3A_65 = arith.constant 448 : index
      %swap3A_66 = tpu.vector_load %arg9[%swap3A_65] {strides = array<i32>} : memref<1024xf32, #tpu.memory_space<vmem>>, vector<16xf32>,
      tpu.vector_store %arg9[%swap3A_65], %broadcast_in_dim3A_9 {strides = array<i32>} : memref<1024xf32, #tpu.memory_space<vmem>>, vector<16xf32>,
      %swap3A_67 = arith.constant 464 : index
      %swap3A_68 = tpu.vector_load %arg9[%swap3A_67] {strides = array<i32>} : memref<1024xf32, #tpu.memory_space<vmem>>, vector<16xf32>,
      tpu.vector_store %arg9[%swap3A_67], %broadcast_in_dim3A_9 {strides = array<i32>} : memref<1024xf32, #tpu.memory_space<vmem>>, vector<16xf32>,
      %swap3A_69 = arith.constant 480 : index
      %swap3A_70 = tpu.vector_load %arg9[%swap3A_69] {strides = array<i32>} : memref<1024xf32, #tpu.memory_space<vmem>>, vector<16xf32>,
      tpu.vector_store %arg9[%swap3A_69], %broadcast_in_dim3A_9 {strides = array<i32>} : memref<1024xf32, #tpu.memory_space<vmem>>, vector<16xf32>,
      %swap3A_71 = arith.constant 496 : index
      %swap3A_72 = tpu.vector_load %arg9[%swap3A_71] {strides = array<i32>} : memref<1024xf32, #tpu.memory_space<vmem>>, vector<16xf32>,
      tpu.vector_store %arg9[%swap3A_71], %broadcast_in_dim3A_9 {strides = array<i32>} : memref<1024xf32, #tpu.memory_space<vmem>>, vector<16xf32>,
      %swap3A_73 = arith.constant 512 : index
      %swap3A_74 = tpu.vector_load %arg9[%swap3A_73] {strides = array<i32>} : memref<1024xf32, #tpu.memory_space<vmem>>, vector<16xf32>,
      tpu.vector_store %arg9[%swap3A_73], %broadcast_in_dim3A_9 {strides = array<i32>} : memref<1024xf32, #tpu.memory_space<vmem>>, vector<16xf32>,
      %swap3A_75 = arith.constant 528 : index
      %swap3A_76 = tpu.vector_load %arg9[%swap3A_75] {strides = array<i32>} : memref<1024xf32, #tpu.memory_space<vmem>>, vector<16xf32>,
      tpu.vector_store %arg9[%swap3A_75], %broadcast_in_dim3A_9 {strides = array<i32>} : memref<1024xf32, #tpu.memory_space<vmem>>, vector<16xf32>,
      %swap3A_77 = arith.constant 544 : index
      %swap3A_78 = tpu.vector_load %arg9[%swap3A_77] {strides = array<i32>} : memref<1024xf32, #tpu.memory_space<vmem>>, vector<16xf32>,
      tpu.vector_store %arg9[%swap3A_77], %broadcast_in_dim3A_9 {strides = array<i32>} : memref<1024xf32, #tpu.memory_space<vmem>>, vector<16xf32>,
      %swap3A_79 = arith.constant 560 : index
      %swap3A_80 = tpu.vector_load %arg9[%swap3A_79] {strides = array<i32>} : memref<1024xf32, #tpu.memory_space<vmem>>, vector<16xf32>,
      tpu.vector_store %arg9[%swap3A_79], %broadcast_in_dim3A_9 {strides = array<i32>} : memref<1024xf32, #tpu.memory_space<vmem>>, vector<16xf32>,
      %swap3A_81 = arith.constant 576 : index
      %swap3A_82 = tpu.vector_load %arg9[%swap3A_81] {strides = array<i32>} : memref<1024xf32, #tpu.memory_space<vmem>>, vector<16xf32>,
      tpu.vector_store %arg9[%swap3A_81], %broadcast_in_dim3A_9 {strides = array<i32>} : memref<1024xf32, #tpu.memory_space<vmem>>, vector<16xf32>,
      %swap3A_83 = arith.constant 592 : index
      %swap3A_84 = tpu.vector_load %arg9[%swap3A_83] {strides = array<i32>} : memref<1024xf32, #tpu.memory_space<vmem>>, vector<16xf32>,
      tpu.vector_store %arg9[%swap3A_83], %broadcast_in_dim3A_9 {strides = array<i32>} : memref<1024xf32, #tpu.memory_space<vmem>>, vector<16xf32>,
      %swap3A_85 = arith.constant 608 : index
      %swap3A_86 = tpu.vector_load %arg9[%swap3A_85] {strides = array<i32>} : memref<1024xf32, #tpu.memory_space<vmem>>, vector<16xf32>,
      tpu.vector_store %arg9[%swap3A_85], %broadcast_in_dim3A_9 {strides = array<i32>} : memref<1024xf32, #tpu.memory_space<vmem>>, vector<16xf32>,
      %swap3A_87 = arith.constant 624 : index
      %swap3A_88 = tpu.vector_load %arg9[%swap3A_87] {strides = array<i32>} : memref<1024xf32, #tpu.memory_space<vmem>>, vector<16xf32>,
      tpu.vector_store %arg9[%swap3A_87], %broadcast_in_dim3A_9 {strides = array<i32>} : memref<1024xf32, #tpu.memory_space<vmem>>, vector<16xf32>,
      %swap3A_89 = arith.constant 640 : index
      %swap3A_90 = tpu.vector_load %arg9[%swap3A_89] {strides = array<i32>} : memref<1024xf32, #tpu.memory_space<vmem>>, vector<16xf32>,
      tpu.vector_store %arg9[%swap3A_89], %broadcast_in_dim3A_9 {strides = array<i32>} : memref<1024xf32, #tpu.memory_space<vmem>>, vector<16xf32>,
      %swap3A_91 = arith.constant 656 : index
      %swap3A_92 = tpu.vector_load %arg9[%swap3A_91] {strides = array<i32>} : memref<1024xf32, #tpu.memory_space<vmem>>, vector<16xf32>,
      tpu.vector_store %arg9[%swap3A_91], %broadcast_in_dim3A_9 {strides = array<i32>} : memref<1024xf32, #tpu.memory_space<vmem>>, vector<16xf32>,
      %swap3A_93 = arith.constant 672 : index
      %swap3A_94 = tpu.vector_load %arg9[%swap3A_93] {strides = array<i32>} : memref<1024xf32, #tpu.memory_space<vmem>>, vector<16xf32>,
      tpu.vector_store %arg9[%swap3A_93], %broadcast_in_dim3A_9 {strides = array<i32>} : memref<1024xf32, #tpu.memory_space<vmem>>, vector<16xf32>,
      %swap3A_95 = arith.constant 688 : index
      %swap3A_96 = tpu.vector_load %arg9[%swap3A_95] {strides = array<i32>} : memref<1024xf32, #tpu.memory_space<vmem>>, vector<16xf32>,
      tpu.vector_store %arg9[%swap3A_95], %broadcast_in_dim3A_9 {strides = array<i32>} : memref<1024xf32, #tpu.memory_space<vmem>>, vector<16xf32>,
      %swap3A_97 = arith.constant 704 : index
      %swap3A_98 = tpu.vector_load %arg9[%swap3A_97] {strides = array<i32>} : memref<1024xf32, #tpu.memory_space<vmem>>, vector<16xf32>,
      tpu.vector_store %arg9[%swap3A_97], %broadcast_in_dim3A_9 {strides = array<i32>} : memref<1024xf32, #tpu.memory_space<vmem>>, vector<16xf32>,
      %swap3A_99 = arith.constant 720 : index
      %swap3A_100 = tpu.vector_load %arg9[%swap3A_99] {strides = array<i32>} : memref<1024xf32, #tpu.memory_space<vmem>>, vector<16xf32>,
      tpu.vector_store %arg9[%swap3A_99], %broadcast_in_dim3A_9 {strides = array<i32>} : memref<1024xf32, #tpu.memory_space<vmem>>, vector<16xf32>,
      %swap3A_101 = arith.constant 736 : index
      %swap3A_102 = tpu.vector_load %arg9[%swap3A_101] {strides = array<i32>} : memref<1024xf32, #tpu.memory_space<vmem>>, vector<16xf32>,
      tpu.vector_store %arg9[%swap3A_101], %broadcast_in_dim3A_9 {strides = array<i32>} : memref<1024xf32, #tpu.memory_space<vmem>>, vector<16xf32>,
      %swap3A_103 = arith.constant 752 : index
      %swap3A_104 = tpu.vector_load %arg9[%swap3A_103] {strides = array<i32>} : memref<1024xf32, #tpu.memory_space<vmem>>, vector<16xf32>,
      tpu.vector_store %arg9[%swap3A_103], %broadcast_in_dim3A_9 {strides = array<i32>} : memref<1024xf32, #tpu.memory_space<vmem>>, vector<16xf32>,
      %swap3A_105 = arith.constant 768 : index
      %swap3A_106 = tpu.vector_load %arg9[%swap3A_105] {strides = array<i32>} : memref<1024xf32, #tpu.memory_space<vmem>>, vector<16xf32>,
      tpu.vector_store %arg9[%swap3A_105], %broadcast_in_dim3A_9 {strides = array<i32>} : memref<1024xf32, #tpu.memory_space<vmem>>, vector<16xf32>,
      %swap3A_107 = arith.constant 784 : index
      %swap3A_108 = tpu.vector_load %arg9[%swap3A_107] {strides = array<i32>} : memref<1024xf32, #tpu.memory_space<vmem>>, vector<16xf32>,
      tpu.vector_store %arg9[%swap3A_107], %broadcast_in_dim3A_9 {strides = array<i32>} : memref<1024xf32, #tpu.memory_space<vmem>>, vector<16xf32>,
      %swap3A_109 = arith.constant 800 : index
      %swap3A_110 = tpu.vector_load %arg9[%swap3A_109] {strides = array<i32>} : memref<1024xf32, #tpu.memory_space<vmem>>, vector<16xf32>,
      tpu.vector_store %arg9[%swap3A_109], %broadcast_in_dim3A_9 {strides = array<i32>} : memref<1024xf32, #tpu.memory_space<vmem>>, vector<16xf32>,
      %swap3A_111 = arith.constant 816 : index
      %swap3A_112 = tpu.vector_load %arg9[%swap3A_111] {strides = array<i32>} : memref<1024xf32, #tpu.memory_space<vmem>>, vector<16xf32>,
      tpu.vector_store %arg9[%swap3A_111], %broadcast_in_dim3A_9 {strides = array<i32>} : memref<1024xf32, #tpu.memory_space<vmem>>, vector<16xf32>,
      %swap3A_113 = arith.constant 832 : index
      %swap3A_114 = tpu.vector_load %arg9[%swap3A_113] {strides = array<i32>} : memref<1024xf32, #tpu.memory_space<vmem>>, vector<16xf32>,
      tpu.vector_store %arg9[%swap3A_113], %broadcast_in_dim3A_9 {strides = array<i32>} : memref<1024xf32, #tpu.memory_space<vmem>>, vector<16xf32>,
      %swap3A_115 = arith.constant 848 : index
      %swap3A_116 = tpu.vector_load %arg9[%swap3A_115] {strides = array<i32>} : memref<1024xf32, #tpu.memory_space<vmem>>, vector<16xf32>,
      tpu.vector_store %arg9[%swap3A_115], %broadcast_in_dim3A_9 {strides = array<i32>} : memref<1024xf32, #tpu.memory_space<vmem>>, vector<16xf32>,
      %swap3A_117 = arith.constant 864 : index
      %swap3A_118 = tpu.vector_load %arg9[%swap3A_117] {strides = array<i32>} : memref<1024xf32, #tpu.memory_space<vmem>>, vector<16xf32>,
      tpu.vector_store %arg9[%swap3A_117], %broadcast_in_dim3A_9 {strides = array<i32>} : memref<1024xf32, #tpu.memory_space<vmem>>, vector<16xf32>,
      %swap3A_119 = arith.constant 880 : index
      %swap3A_120 = tpu.vector_load %arg9[%swap3A_119] {strides = array<i32>} : memref<1024xf32, #tpu.memory_space<vmem>>, vector<16xf32>,
      tpu.vector_store %arg9[%swap3A_119], %broadcast_in_dim3A_9 {strides = array<i32>} : memref<1024xf32, #tpu.memory_space<vmem>>, vector<16xf32>,
      %swap3A_121 = arith.constant 896 : index
      %swap3A_122 = tpu.vector_load %arg9[%swap3A_121] {strides = array<i32>} : memref<1024xf32, #tpu.memory_space<vmem>>, vector<16xf32>,
      tpu.vector_store %arg9[%swap3A_121], %broadcast_in_dim3A_9 {strides = array<i32>} : memref<1024xf32, #tpu.memory_space<vmem>>, vector<16xf32>,
      %swap3A_123 = arith.constant 912 : index
      %swap3A_124 = tpu.vector_load %arg9[%swap3A_123] {strides = array<i32>} : memref<1024xf32, #tpu.memory_space<vmem>>, vector<16xf32>,
      tpu.vector_store %arg9[%swap3A_123], %broadcast_in_dim3A_9 {strides = array<i32>} : memref<1024xf32, #tpu.memory_space<vmem>>, vector<16xf32>,
      %swap3A_125 = arith.constant 928 : index
      %swap3A_126 = tpu.vector_load %arg9[%swap3A_125] {strides = array<i32>} : memref<1024xf32, #tpu.memory_space<vmem>>, vector<16xf32>,
      tpu.vector_store %arg9[%swap3A_125], %broadcast_in_dim3A_9 {strides = array<i32>} : memref<1024xf32, #tpu.memory_space<vmem>>, vector<16xf32>,
      %swap3A_127 = arith.constant 944 : index
      %swap3A_128 = tpu.vector_load %arg9[%swap3A_127] {strides = array<i32>} : memref<1024xf32, #tpu.memory_space<vmem>>, vector<16xf32>,
      tpu.vector_store %arg9[%swap3A_127], %broadcast_in_dim3A_9 {strides = array<i32>} : memref<1024xf32, #tpu.memory_space<vmem>>, vector<16xf32>,
      %swap3A_129 = arith.constant 960 : index
      %swap3A_130 = tpu.vector_load %arg9[%swap3A_129] {strides = array<i32>} : memref<1024xf32, #tpu.memory_space<vmem>>, vector<16xf32>,
      tpu.vector_store %arg9[%swap3A_129], %broadcast_in_dim3A_9 {strides = array<i32>} : memref<1024xf32, #tpu.memory_space<vmem>>, vector<16xf32>,
      %swap3A_131 = arith.constant 976 : index
      %swap3A_132 = tpu.vector_load %arg9[%swap3A_131] {strides = array<i32>} : memref<1024xf32, #tpu.memory_space<vmem>>, vector<16xf32>,
      tpu.vector_store %arg9[%swap3A_131], %broadcast_in_dim3A_9 {strides = array<i32>} : memref<1024xf32, #tpu.memory_space<vmem>>, vector<16xf32>,
      %swap3A_133 = arith.constant 992 : index
      %swap3A_134 = tpu.vector_load %arg9[%swap3A_133] {strides = array<i32>} : memref<1024xf32, #tpu.memory_space<vmem>>, vector<16xf32>,
      tpu.vector_store %arg9[%swap3A_133], %broadcast_in_dim3A_9 {strides = array<i32>} : memref<1024xf32, #tpu.memory_space<vmem>>, vector<16xf32>,
      %swap3A_135 = arith.constant 1008 : index
      %swap3A_136 = tpu.vector_load %arg9[%swap3A_135] {strides = array<i32>} : memref<1024xf32, #tpu.memory_space<vmem>>, vector<16xf32>,
      tpu.vector_store %arg9[%swap3A_135], %broadcast_in_dim3A_9 {strides = array<i32>} : memref<1024xf32, #tpu.memory_space<vmem>>, vector<16xf32>,
      %broadcast_in_dim3A_137 = arith.constant 1.000000e+00 : f32
      %broadcast_in_dim3A_138 = vector.broadcast %broadcast_in_dim3A_137 : f32 to vector<16xf32>
      %scan3A = arith.constant 0 : i32
      %scan3A_139 = arith.constant 0 : i32
      %scan3A_140 = arith.constant 32 : i32
      %scan3A_141 = arith.addi %scan3A_139, %scan3A_140 : i32
      %scan3A_142 = arith.constant 1 : i32
      %scan3A_143 = scf.for %scan3A_160 = %scan3A_139 to %scan3A_141 step %scan3A_142 iter_args(%scan3A_161 = %scan3A) -> (i32)  : i32 {
        %mul3A_162 = arith.constant 8 : i32
        %mul3A_163 = arith.muli %scan3A_160, %mul3A_162 : i32
        %add3A_164 = arith.constant 0 : i32
        %add3A_165 = arith.addi %mul3A_163, %add3A_164 : i32
        %mul3A_166 = arith.constant 16 : i32
        %mul3A_167 = arith.muli %add3A_165, %mul3A_166 : i32
        %get3A = arith.index_cast %mul3A_167 : i32 to index
        %get3A_168 = tpu.vector_load %arg8[%get3A] {strides = array<i32>} : memref<4096xi32, #tpu.memory_space<vmem>>, vector<16xi32>,
        tpu.vector_store_idx %arg9[%get3A_168], %broadcast_in_dim3A_138 {add = true} : memref<1024xf32, #tpu.memory_space<vmem>>[vector<16xi32>], vector<16xf32>,
        %mul3A_169 = arith.constant 8 : i32
        %mul3A_170 = arith.muli %scan3A_160, %mul3A_169 : i32
        %add3A_171 = arith.constant 1 : i32
        %add3A_172 = arith.addi %mul3A_170, %add3A_171 : i32
        %mul3A_173 = arith.constant 16 : i32
        %mul3A_174 = arith.muli %add3A_172, %mul3A_173 : i32
        %get3A_175 = arith.index_cast %mul3A_174 : i32 to index
        %get3A_176 = tpu.vector_load %arg8[%get3A_175] {strides = array<i32>} : memref<4096xi32, #tpu.memory_space<vmem>>, vector<16xi32>,
        tpu.vector_store_idx %arg9[%get3A_176], %broadcast_in_dim3A_138 {add = true} : memref<1024xf32, #tpu.memory_space<vmem>>[vector<16xi32>], vector<16xf32>,
        %mul3A_177 = arith.constant 8 : i32
        %mul3A_178 = arith.muli %scan3A_160, %mul3A_177 : i32
        %add3A_179 = arith.constant 2 : i32
        %add3A_180 = arith.addi %mul3A_178, %add3A_179 : i32
        %mul3A_181 = arith.constant 16 : i32
        %mul3A_182 = arith.muli %add3A_180, %mul3A_181 : i32
        %get3A_183 = arith.index_cast %mul3A_182 : i32 to index
        %get3A_184 = tpu.vector_load %arg8[%get3A_183] {strides = array<i32>} : memref<4096xi32, #tpu.memory_space<vmem>>, vector<16xi32>,
        tpu.vector_store_idx %arg9[%get3A_184], %broadcast_in_dim3A_138 {add = true} : memref<1024xf32, #tpu.memory_space<vmem>>[vector<16xi32>], vector<16xf32>,
        %mul3A_185 = arith.constant 8 : i32
        %mul3A_186 = arith.muli %scan3A_160, %mul3A_185 : i32
        %add3A_187 = arith.constant 3 : i32
        %add3A_188 = arith.addi %mul3A_186, %add3A_187 : i32
        %mul3A_189 = arith.constant 16 : i32
        %mul3A_190 = arith.muli %add3A_188, %mul3A_189 : i32
        %get3A_191 = arith.index_cast %mul3A_190 : i32 to index
        %get3A_192 = tpu.vector_load %arg8[%get3A_191] {strides = array<i32>} : memref<4096xi32, #tpu.memory_space<vmem>>, vector<16xi32>,
        tpu.vector_store_idx %arg9[%get3A_192], %broadcast_in_dim3A_138 {add = true} : memref<1024xf32, #tpu.memory_space<vmem>>[vector<16xi32>], vector<16xf32>,
        %mul3A_193 = arith.constant 8 : i32
        %mul3A_194 = arith.muli %scan3A_160, %mul3A_193 : i32
        %add3A_195 = arith.constant 4 : i32
        %add3A_196 = arith.addi %mul3A_194, %add3A_195 : i32
        %mul3A_197 = arith.constant 16 : i32
        %mul3A_198 = arith.muli %add3A_196, %mul3A_197 : i32
        %get3A_199 = arith.index_cast %mul3A_198 : i32 to index
        %get3A_200 = tpu.vector_load %arg8[%get3A_199] {strides = array<i32>} : memref<4096xi32, #tpu.memory_space<vmem>>, vector<16xi32>,
        tpu.vector_store_idx %arg9[%get3A_200], %broadcast_in_dim3A_138 {add = true} : memref<1024xf32, #tpu.memory_space<vmem>>[vector<16xi32>], vector<16xf32>,
        %mul3A_201 = arith.constant 8 : i32
        %mul3A_202 = arith.muli %scan3A_160, %mul3A_201 : i32
        %add3A_203 = arith.constant 5 : i32
        %add3A_204 = arith.addi %mul3A_202, %add3A_203 : i32
        %mul3A_205 = arith.constant 16 : i32
        %mul3A_206 = arith.muli %add3A_204, %mul3A_205 : i32
        %get3A_207 = arith.index_cast %mul3A_206 : i32 to index
        %get3A_208 = tpu.vector_load %arg8[%get3A_207] {strides = array<i32>} : memref<4096xi32, #tpu.memory_space<vmem>>, vector<16xi32>,
        tpu.vector_store_idx %arg9[%get3A_208], %broadcast_in_dim3A_138 {add = true} : memref<1024xf32, #tpu.memory_space<vmem>>[vector<16xi32>], vector<16xf32>,
        %mul3A_209 = arith.constant 8 : i32
        %mul3A_210 = arith.muli %scan3A_160, %mul3A_209 : i32
        %add3A_211 = arith.constant 6 : i32
        %add3A_212 = arith.addi %mul3A_210, %add3A_211 : i32
        %mul3A_213 = arith.constant 16 : i32
        %mul3A_214 = arith.muli %add3A_212, %mul3A_213 : i32
        %get3A_215 = arith.index_cast %mul3A_214 : i32 to index
        %get3A_216 = tpu.vector_load %arg8[%get3A_215] {strides = array<i32>} : memref<4096xi32, #tpu.memory_space<vmem>>, vector<16xi32>,
        tpu.vector_store_idx %arg9[%get3A_216], %broadcast_in_dim3A_138 {add = true} : memref<1024xf32, #tpu.memory_space<vmem>>[vector<16xi32>], vector<16xf32>,
        %mul3A_217 = arith.constant 8 : i32
        %mul3A_218 = arith.muli %scan3A_160, %mul3A_217 : i32
        %add3A_219 = arith.constant 7 : i32
        %add3A_220 = arith.addi %mul3A_218, %add3A_219 : i32
        %mul3A_221 = arith.constant 16 : i32
        %mul3A_222 = arith.muli %add3A_220, %mul3A_221 : i32
        %get3A_223 = arith.index_cast %mul3A_222 : i32 to index
        %get3A_224 = tpu.vector_load %arg8[%get3A_223] {strides = array<i32>} : memref<4096xi32, #tpu.memory_space<vmem>>, vector<16xi32>,
        tpu.vector_store_idx %arg9[%get3A_224], %broadcast_in_dim3A_138 {add = true} : memref<1024xf32, #tpu.memory_space<vmem>>[vector<16xi32>], vector<16xf32>,
        %scan3A_225 = arith.constant 0 : i32
        scf.yield %scan3A_225 : i32
      }
      %scan3A_144 = arith.constant 32 : i32
      %broadcast_in_dim3A_145 = arith.constant 0.000000e+00 : f32
      %broadcast_in_dim3A_146 = vector.broadcast %broadcast_in_dim3A_145 : f32 to vector<16xf32>
      %scan3A_147 = arith.constant 0 : i32
      %scan3A_148 = arith.constant 64 : i32
      %scan3A_149 = arith.addi %scan3A_147, %scan3A_148 : i32
      %scan3A_150 = arith.constant 1 : i32
      %scan3A_151 = scf.for %scan3A_160 = %scan3A_147 to %scan3A_149 step %scan3A_150 iter_args(%scan3A_161 = %broadcast_in_dim3A_146) -> (vector<16xf32>)  : i32 {
        %mul3A_162 = arith.constant 16 : i32
        %mul3A_163 = arith.muli %scan3A_160, %mul3A_162 : i32
        %get3A = arith.index_cast %mul3A_163 : i32 to index
        %get3A_164 = tpu.vector_load %arg9[%get3A] {strides = array<i32>} : memref<1024xf32, #tpu.memory_space<vmem>>, vector<16xf32>,
        %mul3A_165 = arith.constant 2.44140625E-4 : f32
        %mul3A_166 = vector.broadcast %mul3A_165 : f32 to vector<16xf32>
        %mul3A_167 = arith.mulf %get3A_164, %mul3A_166 : vector<16xf32>
        %add3A_168 = arith.constant 1.000000e-10 : f32
        %add3A_169 = vector.broadcast %add3A_168 : f32 to vector<16xf32>
        %add3A_170 = arith.addf %mul3A_167, %add3A_169 : vector<16xf32>
        %bitcast3A = vector.bitcast %add3A_170 : vector<16xf32> to vector<16xi32>
        %shift_right_arithmetic3A = arith.constant 23 : i32
        %shift_right_arithmetic3A_171 = vector.broadcast %shift_right_arithmetic3A : i32 to vector<16xi32>
        %shift_right_arithmetic3A_172 = arith.shrsi %bitcast3A, %shift_right_arithmetic3A_171 : vector<16xi32>
        %and3A = arith.constant 255 : i32
        %and3A_173 = vector.broadcast %and3A : i32 to vector<16xi32>
        %and3A_174 = arith.andi %shift_right_arithmetic3A_172, %and3A_173 : vector<16xi32>
        %sub3A = arith.constant 127 : i32
        %sub3A_175 = vector.broadcast %sub3A : i32 to vector<16xi32>
        %sub3A_176 = arith.subi %and3A_174, %sub3A_175 : vector<16xi32>
        %and3A_177 = arith.constant 8388607 : i32
        %and3A_178 = vector.broadcast %and3A_177 : i32 to vector<16xi32>
        %and3A_179 = arith.andi %bitcast3A, %and3A_178 : vector<16xi32>
        %or3A = arith.constant 1065353216 : i32
        %or3A_180 = vector.broadcast %or3A : i32 to vector<16xi32>
        %or3A_181 = arith.ori %and3A_179, %or3A_180 : vector<16xi32>
        %bitcast3A_182 = vector.bitcast %or3A_181 : vector<16xi32> to vector<16xf32>
        %sub3A_183 = arith.constant 1.000000e+00 : f32
        %sub3A_184 = vector.broadcast %sub3A_183 : f32 to vector<16xf32>
        %sub3A_185 = arith.subf %bitcast3A_182, %sub3A_184 : vector<16xf32>
        %add3A_186 = arith.constant 1.000000e+00 : f32
        %add3A_187 = vector.broadcast %add3A_186 : f32 to vector<16xf32>
        %add3A_188 = arith.addf %bitcast3A_182, %add3A_187 : vector<16xf32>
        %div3A = arith.divf %sub3A_185, %add3A_188 : vector<16xf32>
        %mul3A_189 = arith.mulf %div3A, %div3A : vector<16xf32>
        %mul3A_190 = arith.constant 2.000000e+00 : f32
        %mul3A_191 = vector.broadcast %mul3A_190 : f32 to vector<16xf32>
        %mul3A_192 = arith.mulf %mul3A_191, %div3A : vector<16xf32>
        %mul3A_193 = arith.constant 0.142857149 : f32
        %mul3A_194 = vector.broadcast %mul3A_193 : f32 to vector<16xf32>
        %mul3A_195 = arith.mulf %mul3A_189, %mul3A_194 : vector<16xf32>
        %add3A_196 = arith.constant 2.000000e-01 : f32
        %add3A_197 = vector.broadcast %add3A_196 : f32 to vector<16xf32>
        %add3A_198 = arith.addf %add3A_197, %mul3A_195 : vector<16xf32>
        %mul3A_199 = arith.mulf %mul3A_189, %add3A_198 : vector<16xf32>
        %add3A_200 = arith.constant 0.333333343 : f32
        %add3A_201 = vector.broadcast %add3A_200 : f32 to vector<16xf32>
        %add3A_202 = arith.addf %add3A_201, %mul3A_199 : vector<16xf32>
        %mul3A_203 = arith.mulf %mul3A_189, %add3A_202 : vector<16xf32>
        %add3A_204 = arith.constant 1.000000e+00 : f32
        %add3A_205 = vector.broadcast %add3A_204 : f32 to vector<16xf32>
        %add3A_206 = arith.addf %add3A_205, %mul3A_203 : vector<16xf32>
        %mul3A_207 = arith.mulf %mul3A_192, %add3A_206 : vector<16xf32>
        %convert_element_type3A_208 = arith.sitofp %sub3A_176 : vector<16xi32> to vector<16xf32>
        %mul3A_209 = arith.constant 0.693147182 : f32
        %mul3A_210 = vector.broadcast %mul3A_209 : f32 to vector<16xf32>
        %mul3A_211 = arith.mulf %convert_element_type3A_208, %mul3A_210 : vector<16xf32>
        %add3A_212 = arith.addf %mul3A_211, %mul3A_207 : vector<16xf32>
        %mul3A_213 = arith.mulf %mul3A_167, %add3A_212 : vector<16xf32>
        %add3A_214 = arith.addf %scan3A_161, %mul3A_213 : vector<16xf32>
        scf.yield %add3A_214 : vector<16xf32>
      }
      %scan3A_152 = arith.constant 64 : i32
      %reduce_sum3A = arith.constant true
      %reduce_sum3A_153 = vector.broadcast %reduce_sum3A : i1 to vector<16xi1>
      %reduce_sum3A_154 = tpu.scan <sum>, %scan3A_151 masked %reduce_sum3A_153 : vector<16xf32>, vector<16xi1> -> vector<16xf32>
      %reduce_sum3A_155 = vector.extract %reduce_sum3A_154[15] : f32 from vector<16xf32>
      %neg3A = arith.constant 0.000000e+00 : f32
      %neg3A_156 = arith.subf %neg3A, %reduce_sum3A_155 : f32
      %broadcast_in_dim3A_157 = vector.broadcast %neg3A_156 : f32 to vector<16xf32>
      %exp3A = math.exp %broadcast_in_dim3A_157 : vector<16xf32>
      %swap3A_158 = arith.constant 0 : index
      %swap3A_159 = tpu.vector_load %arg10[%swap3A_158] {strides = array<i32>} : memref<16xf32, #tpu.memory_space<vmem>>, vector<16xf32>,
      tpu.vector_store %arg10[%swap3A_158], %exp3A {strides = array<i32>} : memref<16xf32, #tpu.memory_space<vmem>>, vector<16xf32>,
      "tpu.region"() ({
        %run_scoped3A = tpu.sem_alloc : memref<!tpu.dma_semaphore, #tpu.memory_space<semaphore_mem>>
        tpu.enqueue_dma source(%arg10 : memref<16xf32, #tpu.memory_space<vmem>>) target(%arg5 : memref<16xf32, #tpu.memory_space<hbm>>) target_semaphore(%run_scoped3A : memref<!tpu.dma_semaphore, #tpu.memory_space<semaphore_mem>>)
        tpu.wait_dma2 semaphore(%run_scoped3A : memref<!tpu.dma_semaphore, #tpu.memory_space<semaphore_mem>>) src(%arg10 : memref<16xf32, #tpu.memory_space<vmem>>) dst(%arg5 : memref<16xf32, #tpu.memory_space<hbm>>)
        tpu.yield
      }) : () -> ()
    } else {
    }
    %dma_wait3A = arith.constant 0 : i32
    %dma_wait3A_7 = arith.constant 0 : i32
    %dma_wait3A_8 = tpu.memref_slice %arg2[%dma_wait3A, %dma_wait3A_7] : memref<1024x32xf32, #tpu.memory_space<hbm>> -> memref<1024x32xf32, #tpu.memory_space<hbm>>
    tpu.wait_indirect_dma semaphore(%arg11 : memref<!tpu.dma_semaphore, #tpu.memory_space<semaphore_mem>>) src(%dma_wait3A_8 : memref<1024x32xf32, #tpu.memory_space<hbm>>) dst(%arg7 : memref<256x32xf32, #tpu.memory_space<vmem>>)
    "tpu.region"() ({
      %run_scoped3A = tpu.sem_alloc : memref<!tpu.dma_semaphore, #tpu.memory_space<semaphore_mem>>
      %dma_start3A_9 = arith.constant 0 : i32
      %dma_start3A_10 = tpu.memref_slice %arg4[%mul3A_2, %dma_start3A_9] : memref<4096x32xf32, #tpu.memory_space<hbm>> -> memref<256x32xf32, #tpu.memory_space<hbm>>
      %dma_start3A_11 = arith.constant 0 : i32
      %dma_start3A_12 = tpu.memref_slice %arg4[%mul3A_2, %dma_start3A_11] : memref<4096x32xf32, #tpu.memory_space<hbm>> -> memref<256x32xf32, #tpu.memory_space<hbm>>
      tpu.enqueue_dma source(%arg7 : memref<256x32xf32, #tpu.memory_space<vmem>>) target(%dma_start3A_12 : memref<256x32xf32, #tpu.memory_space<hbm>>) target_semaphore(%run_scoped3A : memref<!tpu.dma_semaphore, #tpu.memory_space<semaphore_mem>>)
      %dma_wait3A_13 = arith.constant 0 : i32
      %dma_wait3A_14 = tpu.memref_slice %arg4[%mul3A_2, %dma_wait3A_13] : memref<4096x32xf32, #tpu.memory_space<hbm>> -> memref<256x32xf32, #tpu.memory_space<hbm>>
      %dma_wait3A_15 = arith.constant 0 : i32
      %dma_wait3A_16 = tpu.memref_slice %arg4[%mul3A_2, %dma_wait3A_15] : memref<4096x32xf32, #tpu.memory_space<hbm>> -> memref<256x32xf32, #tpu.memory_space<hbm>>
      tpu.wait_dma2 semaphore(%run_scoped3A : memref<!tpu.dma_semaphore, #tpu.memory_space<semaphore_mem>>) src(%arg7 : memref<256x32xf32, #tpu.memory_space<vmem>>) dst(%dma_wait3A_16 : memref<256x32xf32, #tpu.memory_space<hbm>>)
      tpu.yield
    }) : () -> ()
    return
  }
}

module attributes {stable_mosaic.version = 14 : i64} {
  func.func @_vq_body(%arg0: i32, %arg1: memref<2048x32xf32, #tpu.memory_space<vmem>>, %arg2: memref<1024x32xf32, #tpu.memory_space<vmem>>, %arg3: memref<2048x1xi32, #tpu.memory_space<vmem>>, %arg4: memref<1x1xf32, #tpu.memory_space<vmem>>, %arg5: memref<1024x33xf32, #tpu.memory_space<vmem>>, %arg6: memref<1x1xf32, #tpu.memory_space<vmem>>) attributes {dimension_semantics = [#tpu.dimension_semantics<arbitrary>], iteration_bounds = array<i64: 2>, scalar_prefetch = 0 : i64, scratch_operands = 2 : i64, tpu.core_type = #tpu.core_type<tc>, window_params = [{transform_indices = @transform_0, window_bounds = array<i64: 2048, 32>}, {pipeline_mode = #tpu.pipeline_mode<synchronous>, transform_indices = @transform_1, window_bounds = array<i64: 1024, 32>}, {transform_indices = @transform_2, window_bounds = array<i64: 2048, 1>}, {pipeline_mode = #tpu.pipeline_mode<synchronous>, transform_indices = @transform_3, window_bounds = array<i64: 1, 1>}]} {
    %get3A = arith.constant 0 : index
    %get3A_0 = arith.constant 0 : index
    %get3A_1 = vector.load %arg1[%get3A, %get3A_0] : memref<2048x32xf32, #tpu.memory_space<vmem>>, vector<2048x32xf32>
    %eq3A = arith.constant 0 : i32
    %eq3A_2 = arith.cmpi eq, %arg0, %eq3A : i32
    %convert_element_type3A = arith.extui %eq3A_2 : i1 to i32
    %cond3A = arith.constant 0 : i32
    %cond3A_3 = arith.cmpi ne, %convert_element_type3A, %cond3A : i32
    scf.if %cond3A_3 {
      %get3A_42 = arith.constant 0 : index
      %get3A_43 = arith.constant 0 : index
      %get3A_44 = vector.load %arg2[%get3A_42, %get3A_43] : memref<1024x32xf32, #tpu.memory_space<vmem>>, vector<1024x32xf32>
      %mul3A_45 = arith.constant -2.000000e+00 : f32
      %mul3A_46 = vector.broadcast %mul3A_45 : f32 to vector<1024x32xf32>
      %mul3A_47 = arith.mulf %mul3A_46, %get3A_44 : vector<1024x32xf32>
      %swap3A_48 = arith.constant 0 : index
      %swap3A_49 = arith.constant 0 : index
      %swap3A_50 = vector.load %arg5[%swap3A_48, %swap3A_49] : memref<1024x33xf32, #tpu.memory_space<vmem>>, vector<1024x32xf32>
      tpu.vector_store %arg5[%swap3A_48, %swap3A_49], %mul3A_47 {strides = array<i32>} : memref<1024x33xf32, #tpu.memory_space<vmem>>, vector<1024x32xf32>,
      %mul3A_51 = arith.mulf %get3A_44, %get3A_44 : vector<1024x32xf32>
      %reduce_sum3A_52 = arith.constant dense<0.000000e+00> : vector<1024xf32>
      %reduce_sum3A_53 = vector.multi_reduction <add>, %mul3A_51, %reduce_sum3A_52 [1] : vector<1024x32xf32> to vector<1024xf32>
      %broadcast_in_dim3A_54 = vector.shape_cast %reduce_sum3A_53 : vector<1024xf32> to vector<1024x1xf32>
      %swap3A_55 = arith.constant 0 : index
      %swap3A_56 = arith.constant 32 : index
      %swap3A_57 = vector.load %arg5[%swap3A_55, %swap3A_56] : memref<1024x33xf32, #tpu.memory_space<vmem>>, vector<1024x1xf32>
      tpu.vector_store %arg5[%swap3A_55, %swap3A_56], %broadcast_in_dim3A_54 {strides = array<i32>} : memref<1024x33xf32, #tpu.memory_space<vmem>>, vector<1024x1xf32>,
      %broadcast_in_dim3A_58 = arith.constant 0.000000e+00 : f32
      %broadcast_in_dim3A_59 = vector.broadcast %broadcast_in_dim3A_58 : f32 to vector<1x1xf32>
      %swap3A_60 = arith.constant 0 : index
      %swap3A_61 = arith.constant 0 : index
      %swap3A_62 = vector.load %arg6[%swap3A_60, %swap3A_61] : memref<1x1xf32, #tpu.memory_space<vmem>>, vector<1x1xf32>
      tpu.vector_store %arg6[%swap3A_60, %swap3A_61], %broadcast_in_dim3A_59 {strides = array<i32>} : memref<1x1xf32, #tpu.memory_space<vmem>>, vector<1x1xf32>,
    } else {
    }
    %broadcast_in_dim3A = arith.constant 1.000000e+00 : f32
    %broadcast_in_dim3A_4 = vector.broadcast %broadcast_in_dim3A : f32 to vector<2048x1xf32>
    %concatenate3A = tpu.concatenate %get3A_1, %broadcast_in_dim3A_4 in 1 : vector<2048x32xf32>, vector<2048x1xf32> -> vector<2048x33xf32>
    %get3A_5 = arith.constant 0 : index
    %get3A_6 = arith.constant 0 : index
    %get3A_7 = vector.load %arg5[%get3A_5, %get3A_6] : memref<1024x33xf32, #tpu.memory_space<vmem>>, vector<1024x33xf32>
    %dot_general3A = arith.constant dense<0.000000e+00> : vector<2048x1024xf32>
    %dot_general3A_8 = tpu.matmul %concatenate3A, %get3A_7, %dot_general3A {dimension_numbers = #tpu.dot_dimension_numbers<[1], [1], [0], [0], [0, 0, 1, 0], [], []>, precision = #tpu.contract_precision<fp32>, transpose_lhs_hint = false} : vector<2048x33xf32>, vector<1024x33xf32>, vector<2048x1024xf32> -> vector<2048x1024xf32>
    %reduce_min3A = arith.constant dense<0x7F800000> : vector<2048xf32>
    %reduce_min3A_9 = vector.multi_reduction <minimumf>, %dot_general3A_8, %reduce_min3A [1] : vector<2048x1024xf32> to vector<2048xf32>
    %broadcast_in_dim3A_10 = vector.shape_cast %reduce_min3A_9 : vector<2048xf32> to vector<2048x1xf32>
    %iota3A = tpu.iota {dimensions = array<i32: 1>} : vector<2048x1024xi32>
    %eq3A_11 = vector.broadcast %broadcast_in_dim3A_10 : vector<2048x1xf32> to vector<2048x1024xf32>
    %eq3A_12 = arith.cmpf oeq, %dot_general3A_8, %eq3A_11 : vector<2048x1024xf32>
    %jit3A = arith.constant 1024 : i32
    %broadcast_in_dim3A_13 = vector.broadcast %jit3A : i32 to vector<2048x1024xi32>
    %select_n3A = arith.select %eq3A_12, %iota3A, %broadcast_in_dim3A_13 : vector<2048x1024xi1>, vector<2048x1024xi32>
    %reduce_min3A_14 = arith.constant dense<2147483647> : vector<2048xi32>
    %reduce_min3A_15 = vector.multi_reduction <minsi>, %select_n3A, %reduce_min3A_14 [1] : vector<2048x1024xi32> to vector<2048xi32>
    %broadcast_in_dim3A_16 = vector.shape_cast %reduce_min3A_15 : vector<2048xi32> to vector<2048x1xi32>
    %swap3A = arith.constant 0 : index
    %swap3A_17 = arith.constant 0 : index
    %swap3A_18 = vector.load %arg3[%swap3A, %swap3A_17] : memref<2048x1xi32, #tpu.memory_space<vmem>>, vector<2048x1xi32>
    tpu.vector_store %arg3[%swap3A, %swap3A_17], %broadcast_in_dim3A_16 {strides = array<i32>} : memref<2048x1xi32, #tpu.memory_space<vmem>>, vector<2048x1xi32>,
    %get3A_19 = arith.constant 0 : index
    %get3A_20 = arith.constant 0 : index
    %get3A_21 = vector.load %arg6[%get3A_19, %get3A_20] : memref<1x1xf32, #tpu.memory_space<vmem>>, vector<1x1xf32>
    %mul3A = arith.mulf %get3A_1, %get3A_1 : vector<2048x32xf32>
    %reduce_sum3A = vector.shape_cast %mul3A : vector<2048x32xf32> to vector<1x2048x32xf32>
    %reduce_sum3A_22 = arith.constant dense<0.000000e+00> : vector<1xf32>
    %reduce_sum3A_23 = vector.multi_reduction <add>, %reduce_sum3A, %reduce_sum3A_22 [1, 2] : vector<1x2048x32xf32> to vector<1xf32>
    %reduce_sum3A_24 = vector.shape_cast %reduce_sum3A_23 : vector<1xf32> to vector<1x1x1xf32>
    %reduce_sum3A_25 = vector.extract %reduce_sum3A_24[0, 0, 0] : f32 from vector<1x1x1xf32>
    %broadcast_in_dim3A_26 = vector.broadcast %reduce_sum3A_25 : f32 to vector<1x1xf32>
    %reduce_sum3A_27 = vector.shape_cast %broadcast_in_dim3A_10 : vector<2048x1xf32> to vector<1x2048x1xf32>
    %reduce_sum3A_28 = arith.constant dense<0.000000e+00> : vector<1xf32>
    %reduce_sum3A_29 = vector.multi_reduction <add>, %reduce_sum3A_27, %reduce_sum3A_28 [1, 2] : vector<1x2048x1xf32> to vector<1xf32>
    %reduce_sum3A_30 = vector.shape_cast %reduce_sum3A_29 : vector<1xf32> to vector<1x1x1xf32>
    %reduce_sum3A_31 = vector.extract %reduce_sum3A_30[0, 0, 0] : f32 from vector<1x1x1xf32>
    %broadcast_in_dim3A_32 = vector.broadcast %reduce_sum3A_31 : f32 to vector<1x1xf32>
    %add3A = arith.addf %broadcast_in_dim3A_26, %broadcast_in_dim3A_32 : vector<1x1xf32>
    %add3A_33 = arith.addf %get3A_21, %add3A : vector<1x1xf32>
    %swap3A_34 = arith.constant 0 : index
    %swap3A_35 = arith.constant 0 : index
    %swap3A_36 = vector.load %arg6[%swap3A_34, %swap3A_35] : memref<1x1xf32, #tpu.memory_space<vmem>>, vector<1x1xf32>
    tpu.vector_store %arg6[%swap3A_34, %swap3A_35], %add3A_33 {strides = array<i32>} : memref<1x1xf32, #tpu.memory_space<vmem>>, vector<1x1xf32>,
    %eq3A_37 = arith.constant 1 : i32
    %eq3A_38 = arith.cmpi eq, %arg0, %eq3A_37 : i32
    %convert_element_type3A_39 = arith.extui %eq3A_38 : i1 to i32
    %cond3A_40 = arith.constant 0 : i32
    %cond3A_41 = arith.cmpi ne, %convert_element_type3A_39, %cond3A_40 : i32
    scf.if %cond3A_41 {
      %get3A_42 = arith.constant 0 : index
      %get3A_43 = arith.constant 0 : index
      %get3A_44 = vector.load %arg6[%get3A_42, %get3A_43] : memref<1x1xf32, #tpu.memory_space<vmem>>, vector<1x1xf32>
      %div3A = arith.constant 1.310720e+05 : f32
      %div3A_45 = vector.broadcast %div3A : f32 to vector<1x1xf32>
      %div3A_46 = arith.divf %get3A_44, %div3A_45 : vector<1x1xf32>
      %swap3A_47 = arith.constant 0 : index
      %swap3A_48 = arith.constant 0 : index
      %swap3A_49 = vector.load %arg4[%swap3A_47, %swap3A_48] : memref<1x1xf32, #tpu.memory_space<vmem>>, vector<1x1xf32>
      tpu.vector_store %arg4[%swap3A_47, %swap3A_48], %div3A_46 {strides = array<i32>} : memref<1x1xf32, #tpu.memory_space<vmem>>, vector<1x1xf32>,
    } else {
    }
    return
  }
  func.func @transform_0(%arg0: i32) -> (i32, i32) {
    %c0_i32 = arith.constant 0 : i32
    %c0_i32_0 = arith.constant 0 : i32
    return %arg0, %c0_i32 : i32, i32
  }
  func.func @transform_1(%arg0: i32) -> (i32, i32) {
    %c0_i32 = arith.constant 0 : i32
    %c0_i32_0 = arith.constant 0 : i32
    %c0_i32_1 = arith.constant 0 : i32
    return %c0_i32, %c0_i32_0 : i32, i32
  }
  func.func @transform_2(%arg0: i32) -> (i32, i32) {
    %c0_i32 = arith.constant 0 : i32
    %c0_i32_0 = arith.constant 0 : i32
    return %arg0, %c0_i32 : i32, i32
  }
  func.func @transform_3(%arg0: i32) -> (i32, i32) {
    %c0_i32 = arith.constant 0 : i32
    %c0_i32_0 = arith.constant 0 : i32
    %c0_i32_1 = arith.constant 0 : i32
    return %c0_i32, %c0_i32_0 : i32, i32
  }
}

</mosaic_0001>

<sc_bundles>
// kernel: kernel.4.cloned.1.call-start
scs
__scs_entry_jumppad:
0x0: {  	(pc) =	sbr.rel $0x88, $3  }
0x1: {  	(tag) =	ssettag $0x0;
	lr =	simm.s32 $0x1  }
0x2: {  	[smem:$0x3F9F] =	sst lr;
	_ =	strace $0xD0000000  }
0x3: {  	_ = 	snop  }
0x4: {  	_ = 	snop  }
0x5: {  	_ = 	snop  }
0x6: {  	_ = 	snop  }
0x7: {  	_ = 	snop  }
__scs_overlays_trampoline_lowered:
0x8: {  	[smem:$0x3FAE] =	sst s0  }
0x9: {  	[smem:$0x3FAF] =	sst s1  }
0xa: {  	[smem:$0x3FB0] =	sst s2  }
0xb: {  	[smem:$0x3FB1] =	sst s3  }
0xc: {  	[smem:$0x3FB2] =	sst s4  }
0xd: {  	[smem:$0x3FB3] =	sst s5  }
0xe: {  	[smem:$0x3FB4] =	sst s6  }
0xf: {  	[smem:$0x3FB5] =	sst s7  }
0x10: {  	[smem:$0x3FB6] =	sst s8  }
0x11: {  	[smem:$0x3FB7] =	sst s9;
	s0 =	simm.s32 @!p0 $0x0  }
0x12: {  	s1 =	sld [smem:$0x3F9D];
	s0 =	simm.s32 @p0 $0x1  }
0x13: {  	[smem:$0x3FB8] =	sst s0;
	s0 =	simm.s32 @!p1 $0x0  }
0x14: {  	s2 =	sld [smem:$0x3F9C];
	s0 =	simm.s32 @p1 $0x1  }
0x15: {  	[smem:$0x3FB9] =	sst s0;
	s0 =	simm.s32 @!p2 $0x0  }
0x16: {  	s3 =	sld [smem:$0x3FDB];
	s0 =	simm.s32 @p2 $0x1  }
0x17: {  	s4 =	simm.s32 $0x1BF5;
	[smem:$0x3FBB] =	sst s0  }
0x18: {  	s0 =	sld [smem:$0x3F9E];
	_ =	swait.ge [sflag:s4], $0x0  }
0x19: {  	s7 =	sld [smem:$0x3F9F]  }
0x1a: {  	s8 =	sadd.s32 $0xFFFFE003, lr  }
0x1b: {  	s9 =	sadd.s32 $0xFFFFFEF7, lr;
	s5 =	simm.s32 $0xFFFFFFFF;
	p2 =	slt.u32 s8, $0xFFFFF086  }
0x1c: {  	p1 =	slt.u32 s9, $0xF7A;
	s5 =	simm.s32 @!p2 $0x0  }
0x1d: {  	s5 =	simm.s32 @p1 $0x1;
	p0 =	seq.s32 s7, s2  }
0x1e: {  	s7 =	smul.u32 @!p0 $0xF7A, s2;
	p2 =	seq.s32 @!p0 s5, $0x0  }
0x1f: {  	s9 =	smul.u32 $0xF7A, s1;
	s8 =	simm.s32 @!p0 $0x1BF5;
	p2 =	por !p2, p0  }
0x20: {  	[sflag:s8] =	ssyncset.s32 @!p0 $0xFFFFF086;
	s6 =	sadd.s32 @!p0 s3, s7;
	s7 =	simm.s32 @!p0 $0x108  }
0x21: {  	s3 =	sadd.s32 s3, s9;
	s6 =	sadd.s32 @!p0 $0x88, s6;
	s7 =	simm.s32 @p2 $0x1082  }
0x22: {  	[simem:s7], [sflag:s8] =	dma.local @!p0 [hbm:s6], $0xF7A  }
0x23: {  	s9 =	sor.u32 $0xD0000000, s2;
	s6 =	simm.s32 $0x108;
	_ =	swait.ge @!p0 [sflag:s8], $0x0  }
0x24: {  	s3 =	sadd.s32 $0x88, s3;
	s6 =	simm.s32 @!p1 $0x1082;
	[sflag:s4] =	ssyncset.s32 $0xFFFFF086  }
0x25: {  	[simem:s6], [sflag:s4] =	dma.local [hbm:s3], $0xF7A  }
0x26: {  	[smem:$0x3F9F] =	sst s1;
	(tag) =	ssettag s2;
	_ =	strace s9  }
0x27: {  	s1 =	sld [smem:$0x3FAF]  }
0x28: {  	s2 =	sld [smem:$0x3FB0]  }
0x29: {  	s4 =	sld [smem:$0x3FB2]  }
0x2a: {  	p0 =	seq.s32 s5, $0x0;
	s5 =	sld [smem:$0x3FB3]  }
0x2b: {  	s6 =	sld [smem:$0x3FB4]  }
0x2c: {  	s7 =	sld [smem:$0x3FB5]  }
0x2d: {  	s3 =	simm.s32 $0x108;
	s8 =	sld [smem:$0x3FB6]  }
0x2e: {  	s3 =	simm.s32 @!p0 $0x1082;
	s9 =	sld [smem:$0x3FB7]  }
0x2f: {  	lr =	sadd.s32 s0, s3;
	s0 =	sld [smem:$0x3FAE]  }
0x30: {  	s3 =	sld [smem:$0x3FB1]  }
0x31: {  	[smem:$0x3FBA] =	sst s10  }
0x32: {  	s10 =	sld [smem:$0x3FB8];
	_ =	sdelay $0x3  }
0x33: {  	p0 =	seq.s32 s10, $0x1;
	s10 =	sld [smem:$0x3FBA];
	_ =	sdelay $0x3  }
0x34: {  	[smem:$0x3FBA] =	sst s10  }
0x35: {  	s10 =	sld [smem:$0x3FB9];
	_ =	sdelay $0x3  }
0x36: {  	p1 =	seq.s32 s10, $0x1;
	s10 =	sld [smem:$0x3FBA];
	_ =	sdelay $0x3  }
0x37: {  	[smem:$0x3FBA] =	sst s10  }
0x38: {  	s10 =	sld [smem:$0x3FBB]  }
0x39: {  	_ = 	snop;
	(pc) =	sbr.ind lr, $3  }
0x3a: {  	_ = 	snop  }
0x3b: {  	_ = 	snop  }
0x3c: {  	p2 =	seq.s32 s10, $0x1;
	s10 =	sld [smem:$0x3FBA]  }
0x3d: {  	_ =	shalt  }
0x3e: {  	_ =	shalt  }
0x3f: {  	_ =	shalt  }
0x40: {  	_ =	shalt  }
0x41: {  	_ =	shalt  }
0x42: {  	_ =	shalt  }
0x43: {  	_ =	shalt  }
0x44: {  	_ =	shalt  }
0x45: {  	_ =	shalt  }
0x46: {  	_ =	shalt  }
0x47: {  	_ =	shalt  }
0x48: {  	_ =	shalt  }
0x49: {  	_ =	shalt  }
0x4a: {  	_ =	shalt  }
0x4b: {  	_ =	shalt  }
0x4c: {  	_ =	shalt  }
0x4d: {  	_ =	shalt  }
0x4e: {  	_ =	shalt  }
0x4f: {  	_ =	shalt  }
0x50: {  	_ =	shalt  }
0x51: {  	_ =	shalt  }
0x52: {  	_ =	shalt  }
0x53: {  	_ =	shalt  }
0x54: {  	_ =	shalt  }
0x55: {  	_ =	shalt  }
0x56: {  	_ =	shalt  }
0x57: {  	_ =	shalt  }
0x58: {  	_ =	shalt  }
0x59: {  	_ =	shalt  }
0x5a: {  	_ =	shalt  }
0x5b: {  	_ =	shalt  }
0x5c: {  	_ =	shalt  }
0x5d: {  	_ =	shalt  }
0x5e: {  	_ =	shalt  }
0x5f: {  	_ =	shalt  }
0x60: {  	_ =	shalt  }
0x61: {  	_ =	shalt  }
0x62: {  	_ =	shalt  }
0x63: {  	_ =	shalt  }
0x64: {  	_ =	shalt  }
0x65: {  	_ =	shalt  }
0x66: {  	_ =	shalt  }
0x67: {  	_ =	shalt  }
0x68: {  	_ =	shalt  }
0x69: {  	_ =	shalt  }
0x6a: {  	_ =	shalt  }
0x6b: {  	_ =	shalt  }
0x6c: {  	_ =	shalt  }
0x6d: {  	_ =	shalt  }
0x6e: {  	_ =	shalt  }
0x6f: {  	_ =	shalt  }
0x70: {  	_ =	shalt  }
0x71: {  	_ =	shalt  }
0x72: {  	_ =	shalt  }
0x73: {  	_ =	shalt  }
0x74: {  	_ =	shalt  }
0x75: {  	_ =	shalt  }
0x76: {  	_ =	shalt  }
0x77: {  	_ =	shalt  }
0x78: {  	_ =	shalt  }
0x79: {  	_ =	shalt  }
0x7a: {  	_ =	shalt  }
0x7b: {  	_ =	shalt  }
0x7c: {  	_ =	shalt  }
0x7d: {  	_ =	shalt  }
0x7e: {  	_ =	shalt  }
0x7f: {  	_ =	shalt  }
0x80: {  	_ =	shalt  }
0x81: {  	_ =	shalt  }
0x82: {  	_ =	shalt  }
0x83: {  	_ =	shalt  }
0x84: {  	_ =	shalt  }
0x85: {  	_ =	shalt  }
0x86: {  	_ =	shalt  }
0x87: {  	_ =	shalt  }
.Lfunc_end0:
.L_simem_size_0:
called_computation_lowered:
.L_overlay_start_0:
0x88: {  	s0 =	sld [smem:$0x3FD9]  }
0x89: {  	s1 =	sld [smem:$0x3FFE];
	_ =	sdelay $0x3  }
0x8a: {  	s0 =	sadd.s32 s1, s0  }
0x8b: {  	[smem:$0x3FC6] =	sst s0  }
0x8c: {  	_ = 	snop  }
0x8d: {  	s0 =	sld [smem:$0x3FD0];
	_ =	sdelay $0x2  }
0x8e: {  	s13 =	simm.s32 $0xA;
	s2 =	simm.s32 $0x10  }
0x8f: {  	[smem:s2], [sflag:s13] =	dma.local [hbm:s0], $0x1  }
0x90: {  	_ =	swait.eq [sflag:s13], $0x1  }
0x91: {  	s14 =	sld [smem:$0x10];
	[sflag:s13] =	ssyncset.done $0x0  }
0x92: {  	s15 =	sld [smem:$0x12];
	[sflag:s13] =	ssyncadd.s32 $0xFFFFFFFF  }
0x93: {  	s16 =	sld [smem:$0x13];
	(tm) =	ssettm $0x1  }
0x94: {  	s3 =	sld [smem:$0x3FFB];
	_ =	sdelay $0x3  }
0x95: {  	_ =	strace s3  }
0x96: {  	s3 =	sld [smem:$0x3FFC];
	_ =	sdelay $0x3  }
0x97: {  	_ =	strace s3  }
0x98: {  	s3 =	sld [smem:$0x3FFD];
	_ =	sdelay $0x3  }
0x99: {  	_ =	strace s3  }
0x9a: {  	_ =	strace $0x8FFFFFFF  }
0x9b: {  	s17 =	sld [smem:$0x3FDB];
	_ =	sdelay $0x1  }
0x9c: {  	s4 =	simm.s32 $_scs_section_size  }
0x9d: {  	s5 =	simm.s32 $_size__tile_overlayer_lowered;
	s6 =	simm.s32 $_tile_overlayer_lowered  }
0x9e: {  	s20 =	simm.s32 $0x1BFF;
	s19 =	sshll.u32 s6, $0x1;
	s3 =	sadd.s32 s4, s17  }
0x9f: {  	s7 =	simm.s32 $0x0;
	s18 =	sshll.u32 s5, $0x1;
	s5 =	sadd.s32 s19, s3  }
0xa0: {  	[timem:s7], [sflag:s20] =	dma.local [hbm:s5], s18  }
0xa1: {  	_ =	swait.ge [sflag:s20], s18  }
0xa2: {  	s4 =	ssub.s32 $0x0, s18;
	[sflag:s20] =	ssyncset.done $0x0  }
0xa3: {  	[sflag:s20] =	ssyncadd.s32 s4;
	_ =	sdelay $0x1  }
0xa4: {  	s21 =	simm.s32 $0x1B8B  }
0xa5: {  	_ =	swait.ge [sflag:s21], $0x1  }
0xa6: {  	[sflag:s21] =	ssyncset.done $0x0  }
0xa7: {  	s23 =	simm.s32 $0x1B8E;
	s22 =	sld [smem:$0x3FFE];
	[sflag:s21] =	ssyncadd.s32 $0xFFFFFFFF  }
0xa8: {  	s24 =	simm.s32 $execute0_lowered;
	[smem:$0x3FD2] =	sst s23  }
0xa9: {  	s5 =	sshll.u32 s24, $0x1;
	_ =	strace $0x80000046;
	[dreg:$0x1] =	wrdreg $0xFFFFFFFF  }
0xaa: {  	s25 =	simm.s32 $_size_execute0_lowered;
	s3 =	sadd.s32 s3, s5;
	[dreg:$0x0] =	wrdreg $0x0  }
0xab: {  	s5 =	sshll.u32 s25, $0x1;
	[dreg:$0x2] =	wrdreg s3  }
0xac: {  	[dreg:$0x3] =	wrdreg s5  }
0xad: {  	[dreg:$0x4] =	wrdreg $0xC0  }
0xae: {  	_ =	task [dreg:s7], $0x5FFFF  }
0xaf: {  	[dreg:$0x1] =	wrdreg $0xFFFFFFFF  }
0xb0: {  	[dreg:$0x0] =	wrdreg $0x60  }
0xb1: {  	[dreg:$0x2] =	wrdreg s22  }
0xb2: {  	[dreg:$0x3] =	wrdreg s16  }
0xb3: {  	[dreg:$0x4] =	wrdreg s14  }
0xb4: {  	[dreg:$0x5] =	wrdreg s15  }
0xb5: {  	[dreg:$0x6] =	wrdreg $0x9  }
0xb6: {  	_ =	task.clear_ibuf [dreg:s7], $0x7FFFF;
	_ =	strace $0x90000046  }
0xb7: {  	s26 =	simm.s32 $0x9;
	_ =	strace $0x80000048  }
0xb8: {  	_ =	swait.ge [sflag:s26], $0x1  }
0xb9: {  	[sflag:s26] =	ssyncadd.s32 $0xFFFFFFFF  }
0xba: {  	_ =	strace $0x90000048  }
0xbb: {  	_ =	sfence  }
0xbc: {  	s28 =	sld [smem:$0x0];
	_ =	sdelay $0x1  }
0xbd: {  	s29 =	srdreg.scid  }
0xbe: {  	s30 =	sshll.u32 s29, $0xD;
	s31 =	sshrl.u32 s29, $0x2  }
0xbf: {  	s1 =	sand.u32 $0x1, s29;
	s2 =	sand.u32 $0x4000, s30;
	s0 =	sadd.s32 s31, s28  }
0xc0: {  	s1 =	sor.u32 s2, s1;
	s0 =	sshll.u32 s0, $0x11  }
0xc1: {  	s0 =	sor.u32 s0, s1  }
0xc2: {  	s0 =	sadd.s32 $0x8F2B, s0  }
0xc3: {  	[sflag:s0] =	ssyncadd.remote.s32 $0x1  }
0xc4: {  	_ =	sfence.sel $0xFFFF  }
0xc5: {  	[dreg:$0x0] =	wrdreg $0xFFFFFFFF;
	(pc) =	sbr.abs _section_cstart, $3  }
0xc6: {  	[dreg:$0x1] =	wrdreg $0xFFFFFFFF  }
0xc7: {  	_ =	task.clear_ibuf [dreg:s7], $0x2FFFF;
	_ =	strace $0x9FFFFFFF  }
0xc8: {  	(tm) =	ssettm $0x7FFFFFFF  }
0xc9: {  	_ =	shalt  }
tec
execute0_lowered:
.L_overlay_start_1:
0x0: {  	(tag) =	ssettag $0x1  }
0x1: {  	s4 =	rddreg [dreg:$0x0]  }
0x2: {  	s6 =	rddreg [dreg:$0x1]  }
0x3: {  	s5 =	rddreg [dreg:$0x2]  }
0x4: {  	s3 =	rddreg [dreg:$0x3]  }
0x5: {  	s0 =	rddreg [dreg:$0x4];
	s1 =	simm.s32 $0x0;
	s7 =	stileid.u32  }
0x6: {  	[smem:$0x7FF] =	sst s1;
	s2 =	sshll.u32 s7, $0x5  }
0x7: {  	p0 =	sne.s32 s7, $0x0;
	_ =	strace $0x80000047;
	s2 =	sadd.s32 s6, s2  }
0x8: {  	[tilespmem:s1], [sflag:$0x2] =	stream.linear.gather [hbm4b:s2+s1], $0x100, $0x38;
	[tilespmem:$0x3510] =	vst v63  }
.Ltmp0:
0x9: {  	s2 =	simm.s32 $0x2;
	(pc) =	sbr.rel @p0 .LBB2_6-.Ltmp0, $4  }
0xa: {  	_ =	swait.ge [sflag:s2], $0x100  }
0xb: {  	s8 =	sadd.s32 $0x600, s4;
	s7 =	sshll.u32 s7, $0xA;
	[sflag:s2] =	ssyncset.done $0x0  }
0xc: {  	s4 =	simm.s32 $0x100;
	s5 =	sadd.s32 s5, s7;
	[sflag:s2] =	ssyncadd.s32 $0xFFFFFF00  }
0xd: {  	[tilespmem:s4], [sflag:$0x1] =	stream.indirect.gather [hbm4b:s8+s4], $0x20, s1, s4, $0xb8;
	[tilespmem:$0x3510] =	vst v63  }
0xe: {  	s7 =	simm.s32 $0x2100  }
0xf: {  	[tilespmem:s7], [sflag:$0x2] =	stream.linear.gather [hbm4b:s6+s1], $0x1000, $0x38;
	[tilespmem:$0x3510] =	vst v63  }
0x10: {  	_ =	swait.ge [sflag:s2], $0x1000  }
0x11: {  	[sflag:s2] =	ssyncset.done $0x0  }
0x12: {  	v0 =	vimm.f32 $0.0e+00;
	[sflag:s2] =	ssyncadd.s32 $0xFFFFF000  }
0x13: {  	[tilespmem:$0x3100] =	vst v0  }
0x14: {  	[tilespmem:$0x3110] =	vst v0  }
0x15: {  	[tilespmem:$0x3120] =	vst v0  }
0x16: {  	[tilespmem:$0x3130] =	vst v0  }
0x17: {  	[tilespmem:$0x3140] =	vst v0  }
0x18: {  	[tilespmem:$0x3150] =	vst v0  }
0x19: {  	[tilespmem:$0x3160] =	vst v0  }
0x1a: {  	[tilespmem:$0x3170] =	vst v0  }
0x1b: {  	[tilespmem:$0x3180] =	vst v0  }
0x1c: {  	[tilespmem:$0x3190] =	vst v0  }
0x1d: {  	[tilespmem:$0x31A0] =	vst v0  }
0x1e: {  	[tilespmem:$0x31B0] =	vst v0  }
0x1f: {  	[tilespmem:$0x31C0] =	vst v0  }
0x20: {  	[tilespmem:$0x31D0] =	vst v0  }
0x21: {  	[tilespmem:$0x31E0] =	vst v0  }
0x22: {  	[tilespmem:$0x31F0] =	vst v0  }
0x23: {  	[tilespmem:$0x3200] =	vst v0  }
0x24: {  	[tilespmem:$0x3210] =	vst v0  }
0x25: {  	[tilespmem:$0x3220] =	vst v0  }
0x26: {  	[tilespmem:$0x3230] =	vst v0  }
0x27: {  	[tilespmem:$0x3240] =	vst v0  }
0x28: {  	[tilespmem:$0x3250] =	vst v0  }
0x29: {  	[tilespmem:$0x3260] =	vst v0  }
0x2a: {  	[tilespmem:$0x3270] =	vst v0  }
0x2b: {  	[tilespmem:$0x3280] =	vst v0  }
0x2c: {  	[tilespmem:$0x3290] =	vst v0  }
0x2d: {  	[tilespmem:$0x32A0] =	vst v0  }
0x2e: {  	[tilespmem:$0x32B0] =	vst v0  }
0x2f: {  	[tilespmem:$0x32C0] =	vst v0  }
0x30: {  	[tilespmem:$0x32D0] =	vst v0  }
0x31: {  	[tilespmem:$0x32E0] =	vst v0  }
0x32: {  	[tilespmem:$0x32F0] =	vst v0  }
0x33: {  	[tilespmem:$0x3300] =	vst v0  }
0x34: {  	[tilespmem:$0x3310] =	vst v0  }
0x35: {  	[tilespmem:$0x3320] =	vst v0  }
0x36: {  	[tilespmem:$0x3330] =	vst v0  }
0x37: {  	[tilespmem:$0x3340] =	vst v0  }
0x38: {  	[tilespmem:$0x3350] =	vst v0  }
0x39: {  	[tilespmem:$0x3360] =	vst v0  }
0x3a: {  	[tilespmem:$0x3370] =	vst v0  }
0x3b: {  	[tilespmem:$0x3380] =	vst v0  }
0x3c: {  	[tilespmem:$0x3390] =	vst v0  }
0x3d: {  	[tilespmem:$0x33A0] =	vst v0  }
0x3e: {  	[tilespmem:$0x33B0] =	vst v0  }
0x3f: {  	[tilespmem:$0x33C0] =	vst v0  }
0x40: {  	[tilespmem:$0x33D0] =	vst v0  }
0x41: {  	[tilespmem:$0x33E0] =	vst v0  }
0x42: {  	[tilespmem:$0x33F0] =	vst v0  }
0x43: {  	[tilespmem:$0x3400] =	vst v0  }
0x44: {  	[tilespmem:$0x3410] =	vst v0  }
0x45: {  	[tilespmem:$0x3420] =	vst v0  }
0x46: {  	[tilespmem:$0x3430] =	vst v0  }
0x47: {  	[tilespmem:$0x3440] =	vst v0  }
0x48: {  	[tilespmem:$0x3450] =	vst v0  }
0x49: {  	[tilespmem:$0x3460] =	vst v0  }
0x4a: {  	[tilespmem:$0x3470] =	vst v0  }
0x4b: {  	[tilespmem:$0x3480] =	vst v0  }
0x4c: {  	[tilespmem:$0x3490] =	vst v0  }
0x4d: {  	[tilespmem:$0x34A0] =	vst v0  }
0x4e: {  	[tilespmem:$0x34B0] =	vst v0  }
0x4f: {  	[tilespmem:$0x34C0] =	vst v0  }
0x50: {  	[tilespmem:$0x34D0] =	vst v0  }
0x51: {  	[tilespmem:$0x34E0] =	vst v0  }
0x52: {  	v1 =	vimm.f32 $1.000000000e+00;
	s6 =	simm.s32 $0x3100;
	s7 =	simm.s32 $0x0;
	[tilespmem:$0x34F0] =	vst v0  }
.LBB2_2:
0x53: {  	s8 =	sshra.s32 s7, $0x2  }
0x54: {  	v2 =	vld [tilespmem:s8+$0x2100];
	_ =	sdelay $0x7  }
0x55: {  	[tilespmem:v2+s6+$0x0] =	vst.idx.add.f32.msk $0xffff, v1  }
0x56: {  	v2 =	vld [tilespmem:s8+$0x2110];
	_ =	sdelay $0x7  }
0x57: {  	[tilespmem:v2+s6+$0x0] =	vst.idx.add.f32.msk $0xffff, v1  }
0x58: {  	v2 =	vld [tilespmem:s8+$0x2120];
	_ =	sdelay $0x7  }
0x59: {  	[tilespmem:v2+s6+$0x0] =	vst.idx.add.f32.msk $0xffff, v1  }
0x5a: {  	v2 =	vld [tilespmem:s8+$0x2130];
	_ =	sdelay $0x7  }
0x5b: {  	[tilespmem:v2+s6+$0x0] =	vst.idx.add.f32.msk $0xffff, v1  }
0x5c: {  	v2 =	vld [tilespmem:s8+$0x2140];
	_ =	sdelay $0x7  }
0x5d: {  	[tilespmem:v2+s6+$0x0] =	vst.idx.add.f32.msk $0xffff, v1  }
0x5e: {  	v2 =	vld [tilespmem:s8+$0x2150];
	_ =	sdelay $0x7  }
0x5f: {  	[tilespmem:v2+s6+$0x0] =	vst.idx.add.f32.msk $0xffff, v1  }
0x60: {  	v2 =	vld [tilespmem:s8+$0x2160];
	_ =	sdelay $0x7  }
0x61: {  	[tilespmem:v2+s6+$0x0] =	vst.idx.add.f32.msk $0xffff, v1  }
0x62: {  	v2 =	vld [tilespmem:s8+$0x2170];
	_ =	sdelay $0x2  }
0x63: {  	p1 =	sne.s32 s7, $0x3E00  }
.Ltmp1:
0x64: {  	_ = 	snop;
	(pc) =	sbr.rel @p1 .LBB2_2-.Ltmp1, $2  }
0x65: {  	_ =	sdelay $0x2  }
0x66: {  	s7 =	sadd.s32 $0x200, s7;
	[tilespmem:v2+s6+$0x0] =	vst.idx.add.f32.msk $0xffff, v1  }
0x67: {  	s6 =	simm.s32 $0x0  }
0x68: {  	v1 =	vld [tilespmem:s6+$0x3100];
	_ =	sdelay $0x4  }
0x69: {  	v11 =	vmul.f32 $2.441406250e-04, v1;
	_ =	sdelay $0x1  }
0x6a: {  	s26 =	simm.s32 $0x10;
	v3 =	vadd.f32 $1.000000010e-10, v11  }
0x6b: {  	v1 =	vld [tilespmem:s26+$0x3100]  }
0x6c: {  	v2 =	vand.u32 $0x7FFFFF, v3  }
0x6d: {  	v2 =	vor.u32 $0x3F800000, v2  }
0x6e: {  	v4 =	vadd.f32 $1.000000000e+00, v2;
	_ =	sdelay $0x1  }
0x6f: {  	(erf) = vrcp.f32 v4;
	v4 =	vmul.f32 $2.441406250e-04, v1;
	_ =	sdelay $0x1  }
0x70: {  	v12 =	vadd.f32 $1.000000010e-10, v4  }
0x71: {  	s28 =	simm.s32 $0x20  }
0x72: {  	v1 =	vld [tilespmem:s28+$0x3100];
	v5 =	vand.u32 $0x7FFFFF, v12  }
0x73: {  	v5 =	vor.u32 $0x3F800000, v5  }
0x74: {  	v6 =	vadd.f32 $1.000000000e+00, v5;
	_ =	sdelay $0x2  }
0x75: {  	v7 =	vadd.f32 $-1.000000000e+00, v2;
	v2 =	vmul.f32 $2.441406250e-04, v1  }
0x76: {  	(erf) = vrcp.f32 v6;
	v6 =	vpop (erf)  }
0x77: {  	v7 =	vmul.f32 v6, v7;
	v6 =	vadd.f32 $1.000000010e-10, v2;
	_ =	sdelay $0x1  }
0x78: {  	v9 =	vmul.f32 v7, v7;
	v8 =	vand.u32 $0x7FFFFF, v6  }
0x79: {  	v13 =	vor.u32 $0x3F800000, v8  }
0x7a: {  	s29 =	simm.s32 $0x30;
	v10 =	vmul.f32 $1.428571490e-01, v9;
	v8 =	vadd.f32 $1.000000000e+00, v13  }
0x7b: {  	v1 =	vld [tilespmem:s29+$0x3100]  }
0x7c: {  	v10 =	vadd.f32 $2.000000030e-01, v10  }
0x7d: {  	v5 =	vadd.f32 $-1.000000000e+00, v5  }
0x7e: {  	(erf) = vrcp.f32 v8;
	v8 =	vpop (erf);
	v10 =	vmul.f32 v10, v9  }
0x7f: {  	s30 =	simm.s32 $0x40;
	v8 =	vmul.f32 v8, v5  }
0x80: {  	v14 =	vld [tilespmem:s30+$0x3100];
	v3 =	vshrl.u32 v3, $0x17;
	v1 =	vmul.f32 $2.441406250e-04, v1;
	v10 =	vadd.f32 $3.333333430e-01, v10  }
0x81: {  	v3 =	vand.u32 $0xFF, v3;
	v15 =	vmul.f32 v8, v8  }
0x82: {  	v3 =	vadd.s32 $0xFFFFFF81, v3;
	v5 =	vadd.f32 $1.000000010e-10, v1;
	v9 =	vmul.f32 v10, v9  }
0x83: {  	v18 =	vcvt.s32.f32 v3;
	v16 =	vmul.f32 $1.428571490e-01, v15  }
0x84: {  	v7 =	vadd.f32 v7, v7;
	v10 =	vand.u32 $0x7FFFFF, v5;
	v17 =	vadd.f32 $1.000000000e+00, v9  }
0x85: {  	v3 =	vmul.f32 $2.441406250e-04, v14;
	v9 =	vor.u32 $0x3F800000, v10;
	v10 =	vadd.f32 $2.000000030e-01, v16  }
0x86: {  	v16 =	vmul.f32 $6.931471820e-01, v18;
	v14 =	vmul.f32 v17, v7;
	v17 =	vadd.f32 $1.000000000e+00, v9  }
0x87: {  	v13 =	vadd.f32 $-1.000000000e+00, v13  }
0x88: {  	v18 =	vpop (erf);
	v19 =	vmul.f32 v10, v15;
	v14 =	vadd.f32 v14, v16;
	(erf) = vrcp.f32 v17  }
0x89: {  	s31 =	simm.s32 $0x50;
	v7 =	vadd.f32 $1.000000010e-10, v3;
	v10 =	vmul.f32 v18, v13  }
0x8a: {  	v17 =	vadd.f32 $3.333333430e-01, v19;
	v11 =	vmul.f32 v14, v11;
	v14 =	vld [tilespmem:s31+$0x3100]  }
0x8b: {  	v16 =	vshrl.u32 v12, $0x17;
	v12 =	vand.u32 $0x7FFFFF, v7;
	v13 =	vmul.f32 v10, v10  }
0x8c: {  	s6 =	simm.s32 $0x180;
	v12 =	vor.u32 $0x3F800000, v12;
	v16 =	vand.u32 $0xFF, v16;
	v15 =	vmul.f32 v17, v15  }
.LBB2_4:
0x8d: {  	p1 =	sne.s32 s6, $0xFC0;
	v17 =	vmul.f32 $1.428571490e-01, v13;
	v16 =	vadd.s32 $0xFFFFFF81, v16;
	v0 =	vadd.f32 v11, v0;
	v11 =	vmovc v7;
	v18 =	vmovc v13  }
0x8e: {  	v7 =	vadd.f32 v8, v8;
	v8 =	vmovc v10;
	v13 =	vadd.f32 $1.000000000e+00, v15;
	v15 =	vcvt.s32.f32 v16  }
0x8f: {  	v20 =	vadd.f32 $1.000000000e+00, v12;
	v19 =	vmul.f32 $2.441406250e-04, v14;
	v14 =	vadd.f32 $2.000000030e-01, v17  }
0x90: {  	v16 =	vadd.f32 $-1.000000000e+00, v9;
	v9 =	vmovc v12;
	v13 =	vmul.f32 v13, v7;
	v15 =	vmul.f32 $6.931471820e-01, v15  }
.Ltmp2:
0x91: {  	(erf) = vrcp.f32 v20;
	v10 =	vpop (erf);
	v12 =	vmul.f32 v14, v18;
	(pc) =	sbr.rel @p1 .LBB2_4-.Ltmp2, $4  }
0x92: {  	s7 =	sshra.s32 s6, $0x2;
	v7 =	vadd.f32 $1.000000010e-10, v19;
	v10 =	vmul.f32 v10, v16;
	v15 =	vadd.f32 v13, v15  }
0x93: {  	v16 =	vshrl.u32 v6, $0x17;
	v6 =	vmovc v5;
	v5 =	vmov v11;
	v14 =	vld [tilespmem:s7+$0x3100];
	v17 =	vadd.f32 $3.333333430e-01, v12  }
0x94: {  	v12 =	vand.u32 $0x7FFFFF, v7;
	v13 =	vmul.f32 v10, v10;
	v11 =	vmul.f32 v15, v4;
	v4 =	vmovc v2;
	v2 =	vmovc v1  }
0x95: {  	s6 =	sadd.s32 $0x40, s6;
	v16 =	vand.u32 $0xFF, v16;
	v12 =	vor.u32 $0x3F800000, v12;
	v1 =	vmovc v3;
	v3 =	vmovc v19;
	v15 =	vmul.f32 v17, v18  }
0x96: {  	_ =	sdelay $0x1  }
0x97: {  	v14 =	vmul.f32 $2.441406250e-04, v14;
	_ =	sdelay $0x1  }
0x98: {  	v17 =	vadd.f32 $1.000000010e-10, v14;
	_ =	sdelay $0x1  }
0x99: {  	v18 =	vadd.f32 $1.000000000e+00, v12;
	v19 =	vand.u32 $0x7FFFFF, v17  }
0x9a: {  	v35 =	vor.u32 $0x3F800000, v19  }
0x9b: {  	(erf) = vrcp.f32 v18;
	v19 =	vadd.f32 $1.000000000e+00, v35;
	_ =	sdelay $0x1  }
0x9c: {  	(erf) = vrcp.f32 v19  }
0x9d: {  	v20 =	vmul.f32 $1.428571490e-01, v13;
	v16 =	vadd.s32 $0xFFFFFF81, v16;
	v9 =	vadd.f32 $-1.000000000e+00, v9  }
0x9e: {  	v8 =	vadd.f32 v8, v8;
	v15 =	vadd.f32 $1.000000000e+00, v15;
	v16 =	vcvt.s32.f32 v16;
	v36 =	vpop (erf)  }
0x9f: {  	v6 =	vshrl.u32 v6, $0x17;
	v20 =	vadd.f32 $2.000000030e-01, v20;
	v9 =	vmul.f32 v36, v9  }
0xa0: {  	v40 =	vadd.f32 $-1.000000000e+00, v12;
	v8 =	vmul.f32 v15, v8;
	v16 =	vmul.f32 $6.931471820e-01, v16  }
0xa1: {  	v10 =	vadd.f32 v10, v10;
	v37 =	vmul.f32 v20, v13;
	v38 =	vmul.f32 v9, v9  }
0xa2: {  	v0 =	vadd.f32 v11, v0;
	v5 =	vshrl.u32 v5, $0x17;
	v7 =	vshrl.u32 v7, $0x17  }
0xa3: {  	v8 =	vadd.f32 v8, v16;
	v15 =	vadd.f32 $3.333333430e-01, v37;
	v41 =	vmul.f32 $1.428571490e-01, v38;
	v42 =	vpop (erf)  }
0xa4: {  	v6 =	vand.u32 $0xFF, v6;
	v43 =	vadd.f32 $-1.000000000e+00, v35;
	v12 =	vmul.f32 v42, v40  }
0xa5: {  	v4 =	vmul.f32 v8, v4;
	v39 =	vmul.f32 v15, v13;
	v8 =	vadd.f32 $2.000000030e-01, v41;
	v45 =	vpop (erf)  }
0xa6: {  	v6 =	vadd.s32 $0xFFFFFF81, v6;
	v44 =	vmul.f32 v12, v12;
	v46 =	vmul.f32 v45, v43  }
0xa7: {  	v6 =	vcvt.s32.f32 v6;
	v13 =	vadd.f32 $1.000000000e+00, v39;
	v8 =	vmul.f32 v8, v38  }
0xa8: {  	v5 =	vand.u32 $0xFF, v5;
	v47 =	vmul.f32 $1.428571490e-01, v44;
	v49 =	vmul.f32 v46, v46  }
0xa9: {  	v7 =	vand.u32 $0xFF, v7;
	v6 =	vmul.f32 $6.931471820e-01, v6;
	v10 =	vmul.f32 v13, v10  }
0xaa: {  	v48 =	vadd.f32 $3.333333430e-01, v8;
	v50 =	vadd.f32 $2.000000030e-01, v47;
	v51 =	vmul.f32 $1.428571490e-01, v49  }
0xab: {  	v5 =	vadd.s32 $0xFFFFFF81, v5;
	v0 =	vadd.f32 v4, v0;
	v6 =	vadd.f32 v10, v6  }
0xac: {  	v4 =	vmul.f32 v48, v38;
	v10 =	vmul.f32 v50, v44;
	v15 =	vadd.f32 $2.000000030e-01, v51  }
0xad: {  	v7 =	vadd.s32 $0xFFFFFF81, v7;
	v5 =	vcvt.s32.f32 v5;
	v9 =	vadd.f32 v9, v9  }
0xae: {  	v4 =	vadd.f32 $1.000000000e+00, v4;
	v52 =	vadd.f32 $3.333333430e-01, v10;
	v53 =	vmul.f32 v15, v49  }
0xaf: {  	v7 =	vcvt.s32.f32 v7;
	v55 =	vshrl.u32 v17, $0x17;
	v2 =	vmul.f32 v6, v2  }
0xb0: {  	v4 =	vmul.f32 v4, v9;
	v6 =	vmul.f32 v52, v44;
	v9 =	vadd.f32 $3.333333430e-01, v53  }
0xb1: {  	v5 =	vmul.f32 $6.931471820e-01, v5;
	v7 =	vmul.f32 $6.931471820e-01, v7;
	v56 =	vand.u32 $0xFF, v55  }
0xb2: {  	v54 =	vadd.f32 v12, v12;
	v6 =	vadd.f32 $1.000000000e+00, v6;
	v8 =	vmul.f32 v9, v49  }
0xb3: {  	v57 =	vadd.f32 v46, v46;
	v4 =	vadd.f32 v4, v5;
	v5 =	vadd.s32 $0xFFFFFF81, v56  }
0xb4: {  	v5 =	vcvt.s32.f32 v5;
	v6 =	vmul.f32 v6, v54;
	v8 =	vadd.f32 $1.000000000e+00, v8  }
0xb5: {  	v0 =	vadd.f32 v2, v0;
	v1 =	vmul.f32 v4, v1  }
0xb6: {  	v5 =	vmul.f32 $6.931471820e-01, v5;
	v58 =	vadd.f32 v6, v7;
	v59 =	vmul.f32 v8, v57;
	_ =	sdelay $0x1  }
0xb7: {  	v0 =	vadd.f32 v1, v0;
	v60 =	vmul.f32 v58, v3;
	v61 =	vadd.f32 v59, v5;
	_ =	sdelay $0x1  }
0xb8: {  	v0 =	vadd.f32 v60, v0;
	v62 =	vmul.f32 v61, v14;
	_ =	sdelay $0x1  }
0xb9: {  	v0 =	vadd.f32 v62, v0;
	_ =	sdelay $0x1  }
0xba: {  	(xrf2) =	vadd.scan.msk.f32 $0xffff, v0;
	_ =	sdelay $0x9  }
0xbb: {  	v0, _, _ =	vpop (xrf2)  }
0xbc: {  	(v2sf) =	vpush v0, $0xF;
	_ =	sdelay $0xe  }
0xbd: {  	s6 =	spop (v2sf)  }
0xbe: {  	s6 =	ssub.f32 $0.0e+00, s6;
	_ =	sdelay $0x1  }
0xbf: {  	v63 =	vmov s6  }
0xc0: {  	v0 =	vmul.f32 $1.442695020e+00, v63;
	_ =	sdelay $0x1  }
0xc1: {  	v0 =	vbroadcast v0, $0x0;
	_ =	sdelay $0x1  }
0xc2: {  	(erf) = vpow2.f32 v0;
	_ =	sdelay $0x8  }
0xc3: {  	v0 =	vpop (erf)  }
0xc4: {  	s30 =	simm.s32 $0x0;
	s7 =	simm.s32 $0x3500;
	s31 =	simm.s32 $0x2;
	[tilespmem:$0x3500] =	vst v0  }
0xc5: {  	[hbm4b:s3+s30] =	stream.linear.scatter [tilespmem:s7], [sflag:$0x2], $0x10, $0x38;
	[tilespmem:$0x3510] =	vst v63  }
0xc6: {  	_ =	swait.ge [sflag:s31], $0x10  }
0xc7: {  	[sflag:s31] =	ssyncset.done $0x0  }
0xc8: {  	[sflag:s31] =	ssyncadd.s32 $0xFFFFFFF0  }
.LBB2_6:
0xc9: {  	s3 =	simm.s32 $0x1  }
0xca: {  	_ =	swait.ge [sflag:s3], $0x2000  }
0xcb: {  	[sflag:s3] =	ssyncset.done $0x0  }
0xcc: {  	[sflag:s3] =	ssyncadd.s32 $0xFFFFE000  }
0xcd: {  	[hbm4b:s5+s1] =	stream.linear.scatter [tilespmem:s4], [sflag:$0x2], $0x2000, $0x38;
	[tilespmem:$0x3510] =	vst v63  }
0xce: {  	_ =	swait.ge [sflag:s2], $0x2000  }
0xcf: {  	[sflag:s2] =	ssyncset.done $0x0  }
0xd0: {  	[sflag:s2] =	ssyncadd.s32 $0xFFFFE000  }
0xd1: {  	_ =	sfence.sel $0x180000  }
0xd2: {  	[bflag:$0x0] =	sbarrier.arrive $0xFFFF  }
0xd3: {  	_ =	strace $0x90000047  }
0xd4: {  	s0 =	sadd.s32 @!p0 $0x100000, s0;
	[bflag:$0x2] =	sbarrier.arrive $0xFFFF  }
0xd5: {  	[sflag:s0] =	ssyncadd.tile.s32 @!p0 $0x1;
	_ =	shalt  }
.Lfunc_end2:
_tile_overlayer_lowered:
.L_overlay_start_2:
0xd6: {  	(tag) =	ssettag $0x2  }
0xd7: {  	s0 =	rddreg [dreg:$0x0];
	s2 =	stileid.u32  }
0xd8: {  	s1 =	rddreg [dreg:$0x1];
	p0 =	sne.s32 s2, $0x0  }
0xd9: {  	s3 =	rddreg [dreg:$0x2];
	[bflag:$0x3] =	sbarrier.arrive $0xFFFF;
	s2 =	simm.s32 @!p0 $0x1C02  }
0xda: {  	[timem:s3], [sflag:s2] =	dma.local @!p0 [hbm:s0], s1  }
0xdb: {  	s0 =	simm.s32 @!p0 $0x2  }
0xdc: {  	_ =	swait.ge @!p0 [sflag:s0], s1  }
0xdd: {  	s1 =	ssub.s32 @!p0 $0x0, s1;
	[sflag:s0] =	ssyncset.done @!p0 $0x0  }
0xde: {  	[sflag:s0] =	ssyncadd.s32 @!p0 s1  }
0xdf: {  	[bflag:$0x3] =	sbarrier.arrive $0xFFFF  }
0xe0: {  	_ =	shalt  }

</sc_bundles>
